<compile_context>
chip_gen: v7x
topology: tpu7x:2x2x1
jax: 0.10.2.dev20260603
libtpu: 0.0.44.dev20260713+nightly
codegen_flags: <defaults>
</compile_context>

<pallas_src>
import dataclasses
import functools

import jax
import jax.numpy as jnp
from jax import lax
from jax.experimental import pallas as pl
from jax.experimental.pallas import tpu as pltpu
from jax.experimental.pallas import tpu_sc as plsc

B = 512
N = 50000
D = 768
K = 5
NB = 2048
NSTEP = (N + NB - 1) // NB
NEG = float("-inf")
_DN = (((1,), (1,)), ((), ()))


CW = 128


def _topk_body(qn_ref, tf_ref, nrm_ref, spk_ref, tgt_ref, out_ref,
               qb_ref, cv_ref, ci_ref, io_ref):
    j = pl.program_id(0)

    @pl.when(j == 0)
    def _init():
        qb_ref[...] = qn_ref[...].astype(jnp.bfloat16)
        cv_ref[...] = jnp.full((B, CW), NEG, jnp.float32)
        ci_ref[...] = jnp.zeros((B, CW), jnp.float32)
        io_ref[...] = lax.broadcasted_iota(
            jnp.int32, (B, NB), 1).astype(jnp.float32)

    tf = tf_ref[...]
    cn = (tf / jnp.maximum(nrm_ref[...], 1e-8)).astype(jnp.bfloat16)
    S = lax.dot_general(qb_ref[...], cn, _DN,
                        preferred_element_type=jnp.float32)
    colid = lax.broadcasted_iota(jnp.int32, (1, NB), 1)
    spk = jnp.where(colid < N - j * NB, spk_ref[...], -1)
    valid = spk == tgt_ref[...]

    offf = (j * NB).astype(jnp.float32)
    St = jnp.concatenate([cv_ref[...], jnp.where(valid, S, NEG)], axis=1)
    It = jnp.concatenate([ci_ref[...], io_ref[...] + offf], axis=1)
    vals, idxs = [], []
    for t in range(K):
        m = jnp.max(St, axis=1, keepdims=True)
        matched = St >= m
        idxf = jnp.min(jnp.where(matched, It, jnp.float32(1e9)),
                       axis=1, keepdims=True)
        vals.append(m)
        idxs.append(idxf)
        if t < K - 1:
            St = jnp.where(matched, NEG, St)

    cv_ref[:, :8] = jnp.concatenate(
        vals + [jnp.full((B, 3), NEG, jnp.float32)], axis=1)
    ixs8 = jnp.concatenate(idxs + [jnp.zeros((B, 3), jnp.float32)], axis=1)
    ci_ref[:, :8] = ixs8

    @pl.when(j == pl.num_programs(0) - 1)
    def _fin():
        out_ref[...] = ixs8.astype(jnp.int32)


def _run_topk(qn, tf, nrm, spk2, tgt2):
    return pl.pallas_call(
        _topk_body,
        grid=(NSTEP,),
        in_specs=[
            pl.BlockSpec((B, D), lambda j: (0, 0)),
            pl.BlockSpec((NB, D), lambda j: (j, 0)),
            pl.BlockSpec((NB, 1), lambda j: (j, 0)),
            pl.BlockSpec((1, NB), lambda j: (0, j)),
            pl.BlockSpec((B, 1), lambda j: (0, 0)),
        ],
        out_specs=pl.BlockSpec((B, 8), lambda j: (0, 0)),
        out_shape=jax.ShapeDtypeStruct((B, 8), jnp.int32),
        scratch_shapes=[
            pltpu.VMEM((B, D), jnp.bfloat16),
            pltpu.VMEM((B, CW), jnp.float32),
            pltpu.VMEM((B, CW), jnp.float32),
            pltpu.VMEM((B, NB), jnp.float32),
        ],
        compiler_params=pltpu.CompilerParams(
            dimension_semantics=("arbitrary",)),
    )(qn, tf, nrm, spk2, tgt2)


_NC = 2
_NS = 16
_NW = _NC * _NS
_QPW = B // _NW
_RPW = _QPW * K


def _gather_mean_body(idx_hbm, tab_hbm, out_hbm, idx8_v, idx_v, rows_v,
                      out_v, sem):
    wid = lax.axis_index("s") * _NC + lax.axis_index("c")
    pltpu.sync_copy(idx_hbm.at[pl.ds(wid * _QPW * 8, _QPW * 8)], idx8_v)
    lane = lax.iota(jnp.int32, 16)
    for k in range(K):
        g = plsc.load_gather(idx8_v, [lane * 8 + k])
        plsc.store_scatter(idx_v, [lane * K + k], g)
    pltpu.async_copy(tab_hbm.at[idx_v], rows_v, sem).wait()

    nc = D // 16

    @plsc.parallel_loop(0, _QPW * nc, step=1, unroll=8)
    def _sum(i):
        q = i // nc
        col = (i % nc) * 16
        acc = rows_v[q * K, pl.ds(col, 16)]
        for k in range(1, K):
            acc = acc + rows_v[q * K + k, pl.ds(col, 16)]
        out_v[q, pl.ds(col, 16)] = acc

    pltpu.sync_copy(out_v, out_hbm.at[pl.ds(wid * _QPW, _QPW)])


def _sc_compiler_params():
    cp = pltpu.CompilerParams()
    if "needs_layout_passes" in pltpu.CompilerParams.__dataclass_fields__:
        cp = dataclasses.replace(cp, needs_layout_passes=False)
    return cp


def _run_gather_mean(idx_flat8, tf):
    fn = functools.partial(
        pl.kernel,
        mesh=plsc.VectorSubcoreMesh(core_axis_name="c", subcore_axis_name="s"),
        compiler_params=_sc_compiler_params(),
        out_type=jax.ShapeDtypeStruct((B, D), jnp.float32),
        scratch_types=[
            pltpu.VMEM((_QPW * 8,), jnp.int32),
            pltpu.VMEM((_RPW,), jnp.int32),
            pltpu.VMEM((_RPW, D), jnp.float32),
            pltpu.VMEM((_QPW, D), jnp.float32),
            pltpu.SemaphoreType.DMA,
        ],
    )(_gather_mean_body)
    return fn(idx_flat8, tf)


def _mlp_body(cf_ref, rm_ref, w1_ref, b1_ref, w2_ref, b2_ref, out_ref,
              comb_ref):
    comb_ref[:, :D] = cf_ref[...]
    comb_ref[:, D:] = rm_ref[...] * jnp.float32(1.0 / K)
    h = lax.dot_general(comb_ref[...], w1_ref[...], _DN,
                        preferred_element_type=jnp.float32) + b1_ref[...]
    h = h * jax.nn.sigmoid(h)
    out_ref[...] = lax.dot_general(h, w2_ref[...], _DN,
                                   preferred_element_type=jnp.float32) \
        + b2_ref[...]


def _run_mlp(cf, rm, w1, b1, w2, b2):
    return pl.pallas_call(
        _mlp_body,
        out_shape=jax.ShapeDtypeStruct((B, D), jnp.float32),
        scratch_shapes=[pltpu.VMEM((B, 2 * D), jnp.float32)],
    )(cf, rm, w1, b1, w2, b2)


def kernel(content_features, target_speaker_id, training_features,
           speaker_ids, W1, b1, W2, b2):
    cf = content_features.astype(jnp.float32)
    tf = training_features.astype(jnp.float32)
    spk2 = speaker_ids.astype(jnp.int32).reshape(1, N)
    tgt2 = target_speaker_id.astype(jnp.int32).reshape(B, 1)
    eps = 1e-8
    qn = cf / jnp.maximum(jnp.linalg.norm(cf, axis=-1, keepdims=True), eps)
    nrm = jnp.linalg.norm(tf, axis=-1, keepdims=True)

    top8 = _run_topk(qn, tf, nrm, spk2, tgt2)
    idx_flat8 = top8.reshape(-1)
    rm = _run_gather_mean(idx_flat8, tf)

    return _run_mlp(cf, rm, W1, b1.reshape(1, D), W2, b2.reshape(1, D))

# --- scband reference (transcript-rebuilt; emitter-appended) ---
"""Pipeline reference for scband-retrieval-module-13460427505838 (READ-ONLY COPY).

The authoritative reference and input builder live on the scoring server;
editing this copy changes nothing except your own understanding.
"""

import jax, jax.numpy as jnp
import numpy as np

B = 512
N = 50000
D = 768
K = 5
NUM_SPK = 100


def setup_inputs(seed: int = 0) -> dict:
    key = jax.random.key(seed)
    k1, k2, k3, k4, k5, k6, k7, k8 = jax.random.split(key, 8)
    content_features = jax.random.normal(k1, (B, D), dtype=jnp.float32)
    target_speaker_id = jax.random.randint(k2, (B,), 0, NUM_SPK, dtype=jnp.int64)
    training_features = jax.random.normal(k3, (N, D), dtype=jnp.float32)
    speaker_ids = jax.random.randint(k4, (N,), 0, NUM_SPK, dtype=jnp.int64)
    # enhance_net params (torch Linear: weight [out, in], bias [out])
    lim1 = 1.0 / np.sqrt(2 * D)
    W1 = jax.random.uniform(k5, (D, 2 * D), dtype=jnp.float32, minval=-lim1, maxval=lim1)
    b1 = jax.random.uniform(k6, (D,), dtype=jnp.float32, minval=-lim1, maxval=lim1)
    lim2 = 1.0 / np.sqrt(D)
    W2 = jax.random.uniform(k7, (D, D), dtype=jnp.float32, minval=-lim2, maxval=lim2)
    b2 = jax.random.uniform(k8, (D,), dtype=jnp.float32, minval=-lim2, maxval=lim2)
    return {
        'content_features': content_features,
        'target_speaker_id': target_speaker_id,
        'training_features': training_features,
        'speaker_ids': speaker_ids,
        'W1': W1, 'b1': b1, 'W2': W2, 'b2': b2,
    }


def reference(content_features, target_speaker_id, training_features, speaker_ids, W1, b1, W2, b2):
    eps = 1e-8
    # cosine similarity between each query and all stored features (vectorized over batch)
    qn = content_features / jnp.maximum(jnp.linalg.norm(content_features, axis=-1, keepdims=True), eps)
    cn = training_features / jnp.maximum(jnp.linalg.norm(training_features, axis=-1, keepdims=True), eps)
    sims = qn @ cn.T  # [B, N]
    # restrict candidates to same-speaker rows (mask others to -inf)
    same_spk = speaker_ids[None, :] == target_speaker_id[:, None]  # [B, N]
    sims_masked = jnp.where(same_spk, sims, -jnp.inf)
    _, top_idx = jax.lax.top_k(sims_masked, K)  # [B, K]
    retrieved = jnp.take(training_features, top_idx, axis=0)  # [B, K, D]
    retrieved_mean = retrieved.mean(axis=1)  # [B, D]
    combined = jnp.concatenate([content_features, retrieved_mean], axis=-1)  # [B, 2D]
    # enhance_net: Linear(2D->D) -> SiLU -> Dropout(eval: identity) -> Linear(D->D)
    h = combined @ W1.T + b1
    h = h * jax.nn.sigmoid(h)
    out = h @ W2.T + b2
    return out

if __name__ == "__main__":
    import jax
    _d = setup_inputs()
    print(jax.jit(kernel)(*tuple(_d.values())))

</pallas_src>

<mosaic_0001>
#map = affine_map<(d0, d1) -> (0)>
#map1 = affine_map<(d0, d1) -> (0, 0)>
module attributes {stable_mosaic.version = 14 : i64} {
  func.func @_gather_mean_body(%arg0: i32, %arg1: i32, %arg2: memref<4096xi32, #tpu.memory_space<hbm>>, %arg3: memref<50000x768xf32, #tpu.memory_space<hbm>>, %arg4: memref<512x768xf32, #tpu.memory_space<hbm>>, %arg5: memref<128xi32, #tpu.memory_space<vmem>>, %arg6: memref<80xi32, #tpu.memory_space<vmem>>, %arg7: memref<80x768xf32, #tpu.memory_space<vmem>>, %arg8: memref<16x768xf32, #tpu.memory_space<vmem>>, %arg9: memref<!tpu.dma_semaphore, #tpu.memory_space<semaphore_mem>>) attributes {dimension_semantics = [#tpu.dimension_semantics<core_parallel>, #tpu.dimension_semantics<subcore_parallel>], iteration_bounds = array<i64: 2, 16>, scalar_prefetch = 0 : i64, scratch_operands = 5 : i64, tpu.core_type = #tpu.core_type<sc_vector_subcore>, window_params = [{transform_indices = #map}, {transform_indices = #map1}, {transform_indices = #map1}]} {
    %mul3A = arith.constant 2 : i32
    %mul3A_0 = arith.muli %arg1, %mul3A : i32
    %add3A = arith.addi %mul3A_0, %arg0 : i32
    %mul3A_1 = arith.constant 16 : i32
    %mul3A_2 = arith.muli %add3A, %mul3A_1 : i32
    %mul3A_3 = arith.constant 8 : i32
    %mul3A_4 = arith.muli %mul3A_2, %mul3A_3 : i32
    "tpu.region"() ({
      %run_scoped3A = tpu.sem_alloc : memref<!tpu.dma_semaphore, #tpu.memory_space<semaphore_mem>>
      %dma_start3A_77 = tpu.memref_slice %arg2[%mul3A_4] : memref<4096xi32, #tpu.memory_space<hbm>> -> memref<128xi32, #tpu.memory_space<hbm>>
      %dma_start3A_78 = tpu.memref_slice %arg2[%mul3A_4] : memref<4096xi32, #tpu.memory_space<hbm>> -> memref<128xi32, #tpu.memory_space<hbm>>
      tpu.enqueue_dma source(%dma_start3A_78 : memref<128xi32, #tpu.memory_space<hbm>>) target(%arg5 : memref<128xi32, #tpu.memory_space<vmem>>) target_semaphore(%run_scoped3A : memref<!tpu.dma_semaphore, #tpu.memory_space<semaphore_mem>>)
      %dma_wait3A_79 = tpu.memref_slice %arg2[%mul3A_4] : memref<4096xi32, #tpu.memory_space<hbm>> -> memref<128xi32, #tpu.memory_space<hbm>>
      %dma_wait3A_80 = tpu.memref_slice %arg2[%mul3A_4] : memref<4096xi32, #tpu.memory_space<hbm>> -> memref<128xi32, #tpu.memory_space<hbm>>
      tpu.wait_dma2 semaphore(%run_scoped3A : memref<!tpu.dma_semaphore, #tpu.memory_space<semaphore_mem>>) src(%dma_wait3A_80 : memref<128xi32, #tpu.memory_space<hbm>>) dst(%arg5 : memref<128xi32, #tpu.memory_space<vmem>>)
      tpu.yield
    }) : () -> ()
    %iota3A = tpu.iota {dimensions = array<i32: 0>} : vector<16xi32>
    %mul3A_5 = arith.constant 8 : i32
    %mul3A_6 = vector.broadcast %mul3A_5 : i32 to vector<16xi32>
    %mul3A_7 = arith.muli %iota3A, %mul3A_6 : vector<16xi32>
    %add3A_8 = arith.constant 0 : i32
    %add3A_9 = vector.broadcast %add3A_8 : i32 to vector<16xi32>
    %add3A_10 = arith.addi %mul3A_7, %add3A_9 : vector<16xi32>
    %gather3A = tpu.vector_load_idx %arg5[%add3A_10] : memref<128xi32, #tpu.memory_space<vmem>>[vector<16xi32>], vector<16xi32>,
    %mul3A_11 = arith.constant 5 : i32
    %mul3A_12 = vector.broadcast %mul3A_11 : i32 to vector<16xi32>
    %mul3A_13 = arith.muli %iota3A, %mul3A_12 : vector<16xi32>
    %add3A_14 = arith.constant 0 : i32
    %add3A_15 = vector.broadcast %add3A_14 : i32 to vector<16xi32>
    %add3A_16 = arith.addi %mul3A_13, %add3A_15 : vector<16xi32>
    tpu.vector_store_idx %arg6[%add3A_16], %gather3A : memref<80xi32, #tpu.memory_space<vmem>>[vector<16xi32>], vector<16xi32>,
    %mul3A_17 = arith.constant 8 : i32
    %mul3A_18 = vector.broadcast %mul3A_17 : i32 to vector<16xi32>
    %mul3A_19 = arith.muli %iota3A, %mul3A_18 : vector<16xi32>
    %add3A_20 = arith.constant 1 : i32
    %add3A_21 = vector.broadcast %add3A_20 : i32 to vector<16xi32>
    %add3A_22 = arith.addi %mul3A_19, %add3A_21 : vector<16xi32>
    %gather3A_23 = tpu.vector_load_idx %arg5[%add3A_22] : memref<128xi32, #tpu.memory_space<vmem>>[vector<16xi32>], vector<16xi32>,
    %mul3A_24 = arith.constant 5 : i32
    %mul3A_25 = vector.broadcast %mul3A_24 : i32 to vector<16xi32>
    %mul3A_26 = arith.muli %iota3A, %mul3A_25 : vector<16xi32>
    %add3A_27 = arith.constant 1 : i32
    %add3A_28 = vector.broadcast %add3A_27 : i32 to vector<16xi32>
    %add3A_29 = arith.addi %mul3A_26, %add3A_28 : vector<16xi32>
    tpu.vector_store_idx %arg6[%add3A_29], %gather3A_23 : memref<80xi32, #tpu.memory_space<vmem>>[vector<16xi32>], vector<16xi32>,
    %mul3A_30 = arith.constant 8 : i32
    %mul3A_31 = vector.broadcast %mul3A_30 : i32 to vector<16xi32>
    %mul3A_32 = arith.muli %iota3A, %mul3A_31 : vector<16xi32>
    %add3A_33 = arith.constant 2 : i32
    %add3A_34 = vector.broadcast %add3A_33 : i32 to vector<16xi32>
    %add3A_35 = arith.addi %mul3A_32, %add3A_34 : vector<16xi32>
    %gather3A_36 = tpu.vector_load_idx %arg5[%add3A_35] : memref<128xi32, #tpu.memory_space<vmem>>[vector<16xi32>], vector<16xi32>,
    %mul3A_37 = arith.constant 5 : i32
    %mul3A_38 = vector.broadcast %mul3A_37 : i32 to vector<16xi32>
    %mul3A_39 = arith.muli %iota3A, %mul3A_38 : vector<16xi32>
    %add3A_40 = arith.constant 2 : i32
    %add3A_41 = vector.broadcast %add3A_40 : i32 to vector<16xi32>
    %add3A_42 = arith.addi %mul3A_39, %add3A_41 : vector<16xi32>
    tpu.vector_store_idx %arg6[%add3A_42], %gather3A_36 : memref<80xi32, #tpu.memory_space<vmem>>[vector<16xi32>], vector<16xi32>,
    %mul3A_43 = arith.constant 8 : i32
    %mul3A_44 = vector.broadcast %mul3A_43 : i32 to vector<16xi32>
    %mul3A_45 = arith.muli %iota3A, %mul3A_44 : vector<16xi32>
    %add3A_46 = arith.constant 3 : i32
    %add3A_47 = vector.broadcast %add3A_46 : i32 to vector<16xi32>
    %add3A_48 = arith.addi %mul3A_45, %add3A_47 : vector<16xi32>
    %gather3A_49 = tpu.vector_load_idx %arg5[%add3A_48] : memref<128xi32, #tpu.memory_space<vmem>>[vector<16xi32>], vector<16xi32>,
    %mul3A_50 = arith.constant 5 : i32
    %mul3A_51 = vector.broadcast %mul3A_50 : i32 to vector<16xi32>
    %mul3A_52 = arith.muli %iota3A, %mul3A_51 : vector<16xi32>
    %add3A_53 = arith.constant 3 : i32
    %add3A_54 = vector.broadcast %add3A_53 : i32 to vector<16xi32>
    %add3A_55 = arith.addi %mul3A_52, %add3A_54 : vector<16xi32>
    tpu.vector_store_idx %arg6[%add3A_55], %gather3A_49 : memref<80xi32, #tpu.memory_space<vmem>>[vector<16xi32>], vector<16xi32>,
    %mul3A_56 = arith.constant 8 : i32
    %mul3A_57 = vector.broadcast %mul3A_56 : i32 to vector<16xi32>
    %mul3A_58 = arith.muli %iota3A, %mul3A_57 : vector<16xi32>
    %add3A_59 = arith.constant 4 : i32
    %add3A_60 = vector.broadcast %add3A_59 : i32 to vector<16xi32>
    %add3A_61 = arith.addi %mul3A_58, %add3A_60 : vector<16xi32>
    %gather3A_62 = tpu.vector_load_idx %arg5[%add3A_61] : memref<128xi32, #tpu.memory_space<vmem>>[vector<16xi32>], vector<16xi32>,
    %mul3A_63 = arith.constant 5 : i32
    %mul3A_64 = vector.broadcast %mul3A_63 : i32 to vector<16xi32>
    %mul3A_65 = arith.muli %iota3A, %mul3A_64 : vector<16xi32>
    %add3A_66 = arith.constant 4 : i32
    %add3A_67 = vector.broadcast %add3A_66 : i32 to vector<16xi32>
    %add3A_68 = arith.addi %mul3A_65, %add3A_67 : vector<16xi32>
    tpu.vector_store_idx %arg6[%add3A_68], %gather3A_62 : memref<80xi32, #tpu.memory_space<vmem>>[vector<16xi32>], vector<16xi32>,
    %dma_start3A = arith.constant 0 : i32
    %dma_start3A_69 = arith.constant 0 : i32
    %dma_start3A_70 = tpu.memref_slice %arg3[%dma_start3A, %dma_start3A_69] : memref<50000x768xf32, #tpu.memory_space<hbm>> -> memref<50000x768xf32, #tpu.memory_space<hbm>>
    tpu.enqueue_indirect_dma source(%dma_start3A_70 : memref<50000x768xf32, #tpu.memory_space<hbm>>) target(%arg7 : memref<80x768xf32, #tpu.memory_space<vmem>>) offsets(%arg6 : memref<80xi32, #tpu.memory_space<vmem>>) semaphore(%arg9 : memref<!tpu.dma_semaphore, #tpu.memory_space<semaphore_mem>>)
    %dma_wait3A = arith.constant 0 : i32
    %dma_wait3A_71 = arith.constant 0 : i32
    %dma_wait3A_72 = tpu.memref_slice %arg3[%dma_wait3A, %dma_wait3A_71] : memref<50000x768xf32, #tpu.memory_space<hbm>> -> memref<50000x768xf32, #tpu.memory_space<hbm>>
    tpu.wait_indirect_dma semaphore(%arg9 : memref<!tpu.dma_semaphore, #tpu.memory_space<semaphore_mem>>) src(%dma_wait3A_72 : memref<50000x768xf32, #tpu.memory_space<hbm>>) dst(%arg7 : memref<80x768xf32, #tpu.memory_space<vmem>>)
    %parallel_loop3A = arith.constant 0 : i32
    %parallel_loop3A_73 = arith.constant 768 : i32
    %parallel_loop3A_74 = arith.constant 1 : i32
    scf.for %parallel_loop3A_77 = %parallel_loop3A to %parallel_loop3A_73 step %parallel_loop3A_74  : i32 {
      %parallel_loop3A_78 = arith.constant 48 : i32
      %parallel_loop3A_79 = arith.divsi %parallel_loop3A_77, %parallel_loop3A_78 : i32
      %parallel_loop3A_80 = arith.constant 0 : i32
      %parallel_loop3A_81 = arith.cmpi sgt, %parallel_loop3A_77, %parallel_loop3A_80 : i32
      %parallel_loop3A_82 = arith.extui %parallel_loop3A_81 : i1 to i32
      %parallel_loop3A_83 = arith.constant 0 : i32
      %parallel_loop3A_84 = arith.cmpi slt, %parallel_loop3A_77, %parallel_loop3A_83 : i32
      %parallel_loop3A_85 = arith.extui %parallel_loop3A_84 : i1 to i32
      %parallel_loop3A_86 = arith.subi %parallel_loop3A_82, %parallel_loop3A_85 : i32
      %parallel_loop3A_87 = arith.constant 0 : i32
      %parallel_loop3A_88 = arith.cmpi sgt, %parallel_loop3A_78, %parallel_loop3A_87 : i32
      %parallel_loop3A_89 = arith.extui %parallel_loop3A_88 : i1 to i32
      %parallel_loop3A_90 = arith.constant 0 : i32
      %parallel_loop3A_91 = arith.cmpi slt, %parallel_loop3A_78, %parallel_loop3A_90 : i32
      %parallel_loop3A_92 = arith.extui %parallel_loop3A_91 : i1 to i32
      %parallel_loop3A_93 = arith.subi %parallel_loop3A_89, %parallel_loop3A_92 : i32
      %parallel_loop3A_94 = arith.cmpi ne, %parallel_loop3A_86, %parallel_loop3A_93 : i32
      %parallel_loop3A_95 = arith.remsi %parallel_loop3A_77, %parallel_loop3A_78 : i32
      %parallel_loop3A_96 = arith.constant 0 : i32
      %parallel_loop3A_97 = arith.cmpi ne, %parallel_loop3A_95, %parallel_loop3A_96 : i32
      %parallel_loop3A_98 = arith.andi %parallel_loop3A_94, %parallel_loop3A_97 : i1
      %parallel_loop3A_99 = arith.constant 1 : i32
      %parallel_loop3A_100 = arith.subi %parallel_loop3A_79, %parallel_loop3A_99 : i32
      %parallel_loop3A_101 = arith.select %parallel_loop3A_98, %parallel_loop3A_100, %parallel_loop3A_79 : i32
      %parallel_loop3A_102 = arith.constant 48 : i32
      %parallel_loop3A_103 = arith.constant 0 : i32
      %parallel_loop3A_104 = arith.cmpi eq, %parallel_loop3A_102, %parallel_loop3A_103 : i32
      %parallel_loop3A_105 = arith.constant 1 : i32
      %parallel_loop3A_106 = arith.select %parallel_loop3A_104, %parallel_loop3A_105, %parallel_loop3A_102 : i32
      %parallel_loop3A_107 = arith.remsi %parallel_loop3A_77, %parallel_loop3A_106 : i32
      %parallel_loop3A_108 = arith.constant 0 : i32
      %parallel_loop3A_109 = arith.cmpi ne, %parallel_loop3A_107, %parallel_loop3A_108 : i32
      %parallel_loop3A_110 = arith.constant 0 : i32
      %parallel_loop3A_111 = arith.cmpi slt, %parallel_loop3A_107, %parallel_loop3A_110 : i32
      %parallel_loop3A_112 = arith.constant 0 : i32
      %parallel_loop3A_113 = arith.cmpi slt, %parallel_loop3A_106, %parallel_loop3A_112 : i32
      %parallel_loop3A_114 = arith.xori %parallel_loop3A_111, %parallel_loop3A_113 : i1
      %parallel_loop3A_115 = arith.andi %parallel_loop3A_114, %parallel_loop3A_109 : i1
      %parallel_loop3A_116 = arith.addi %parallel_loop3A_107, %parallel_loop3A_106 : i32
      %parallel_loop3A_117 = arith.select %parallel_loop3A_115, %parallel_loop3A_116, %parallel_loop3A_107 : i32
      %parallel_loop3A_118 = arith.constant 16 : i32
      %parallel_loop3A_119 = arith.muli %parallel_loop3A_117, %parallel_loop3A_118 : i32
      %parallel_loop3A_120 = arith.constant 5 : i32
      %parallel_loop3A_121 = arith.muli %parallel_loop3A_101, %parallel_loop3A_120 : i32
      %parallel_loop3A_122 = arith.index_cast %parallel_loop3A_121 : i32 to index
      %parallel_loop3A_123 = arith.index_cast %parallel_loop3A_119 : i32 to index
      %parallel_loop3A_124 = tpu.vector_load %arg7[%parallel_loop3A_122, %parallel_loop3A_123] {strides = array<i32>} : memref<80x768xf32, #tpu.memory_space<vmem>>, vector<16xf32>,
      %parallel_loop3A_125 = arith.constant 5 : i32
      %parallel_loop3A_126 = arith.muli %parallel_loop3A_101, %parallel_loop3A_125 : i32
      %parallel_loop3A_127 = arith.constant 1 : i32
      %parallel_loop3A_128 = arith.addi %parallel_loop3A_126, %parallel_loop3A_127 : i32
      %parallel_loop3A_129 = arith.index_cast %parallel_loop3A_128 : i32 to index
      %parallel_loop3A_130 = arith.index_cast %parallel_loop3A_119 : i32 to index
      %parallel_loop3A_131 = tpu.vector_load %arg7[%parallel_loop3A_129, %parallel_loop3A_130] {strides = array<i32>} : memref<80x768xf32, #tpu.memory_space<vmem>>, vector<16xf32>,
      %parallel_loop3A_132 = arith.addf %parallel_loop3A_124, %parallel_loop3A_131 : vector<16xf32>
      %parallel_loop3A_133 = arith.constant 5 : i32
      %parallel_loop3A_134 = arith.muli %parallel_loop3A_101, %parallel_loop3A_133 : i32
      %parallel_loop3A_135 = arith.constant 2 : i32
      %parallel_loop3A_136 = arith.addi %parallel_loop3A_134, %parallel_loop3A_135 : i32
      %parallel_loop3A_137 = arith.index_cast %parallel_loop3A_136 : i32 to index
      %parallel_loop3A_138 = arith.index_cast %parallel_loop3A_119 : i32 to index
      %parallel_loop3A_139 = tpu.vector_load %arg7[%parallel_loop3A_137, %parallel_loop3A_138] {strides = array<i32>} : memref<80x768xf32, #tpu.memory_space<vmem>>, vector<16xf32>,
      %parallel_loop3A_140 = arith.addf %parallel_loop3A_132, %parallel_loop3A_139 : vector<16xf32>
      %parallel_loop3A_141 = arith.constant 5 : i32
      %parallel_loop3A_142 = arith.muli %parallel_loop3A_101, %parallel_loop3A_141 : i32
      %parallel_loop3A_143 = arith.constant 3 : i32
      %parallel_loop3A_144 = arith.addi %parallel_loop3A_142, %parallel_loop3A_143 : i32
      %parallel_loop3A_145 = arith.index_cast %parallel_loop3A_144 : i32 to index
      %parallel_loop3A_146 = arith.index_cast %parallel_loop3A_119 : i32 to index
      %parallel_loop3A_147 = tpu.vector_load %arg7[%parallel_loop3A_145, %parallel_loop3A_146] {strides = array<i32>} : memref<80x768xf32, #tpu.memory_space<vmem>>, vector<16xf32>,
      %parallel_loop3A_148 = arith.addf %parallel_loop3A_140, %parallel_loop3A_147 : vector<16xf32>
      %parallel_loop3A_149 = arith.constant 5 : i32
      %parallel_loop3A_150 = arith.muli %parallel_loop3A_101, %parallel_loop3A_149 : i32
      %parallel_loop3A_151 = arith.constant 4 : i32
      %parallel_loop3A_152 = arith.addi %parallel_loop3A_150, %parallel_loop3A_151 : i32
      %parallel_loop3A_153 = arith.index_cast %parallel_loop3A_152 : i32 to index
      %parallel_loop3A_154 = arith.index_cast %parallel_loop3A_119 : i32 to index
      %parallel_loop3A_155 = tpu.vector_load %arg7[%parallel_loop3A_153, %parallel_loop3A_154] {strides = array<i32>} : memref<80x768xf32, #tpu.memory_space<vmem>>, vector<16xf32>,
      %parallel_loop3A_156 = arith.addf %parallel_loop3A_148, %parallel_loop3A_155 : vector<16xf32>
      %parallel_loop3A_157 = arith.index_cast %parallel_loop3A_101 : i32 to index
      %parallel_loop3A_158 = arith.index_cast %parallel_loop3A_119 : i32 to index
      %parallel_loop3A_159 = tpu.vector_load %arg8[%parallel_loop3A_157, %parallel_loop3A_158] {strides = array<i32>} : memref<16x768xf32, #tpu.memory_space<vmem>>, vector<16xf32>,
      tpu.vector_store %arg8[%parallel_loop3A_157, %parallel_loop3A_158], %parallel_loop3A_156 {strides = array<i32>} : memref<16x768xf32, #tpu.memory_space<vmem>>, vector<16xf32>,
    } {sc.loop_unroll_factor = 8 : i64, sc.parallel_access}
    %mul3A_75 = arith.constant 16 : i32
    %mul3A_76 = arith.muli %add3A, %mul3A_75 : i32
    "tpu.region"() ({
      %run_scoped3A = tpu.sem_alloc : memref<!tpu.dma_semaphore, #tpu.memory_space<semaphore_mem>>
      %dma_start3A_77 = arith.constant 0 : i32
      %dma_start3A_78 = tpu.memref_slice %arg4[%mul3A_76, %dma_start3A_77] : memref<512x768xf32, #tpu.memory_space<hbm>> -> memref<16x768xf32, #tpu.memory_space<hbm>>
      %dma_start3A_79 = arith.constant 0 : i32
      %dma_start3A_80 = tpu.memref_slice %arg4[%mul3A_76, %dma_start3A_79] : memref<512x768xf32, #tpu.memory_space<hbm>> -> memref<16x768xf32, #tpu.memory_space<hbm>>
      tpu.enqueue_dma source(%arg8 : memref<16x768xf32, #tpu.memory_space<vmem>>) target(%dma_start3A_80 : memref<16x768xf32, #tpu.memory_space<hbm>>) target_semaphore(%run_scoped3A : memref<!tpu.dma_semaphore, #tpu.memory_space<semaphore_mem>>)
      %dma_wait3A_81 = arith.constant 0 : i32
      %dma_wait3A_82 = tpu.memref_slice %arg4[%mul3A_76, %dma_wait3A_81] : memref<512x768xf32, #tpu.memory_space<hbm>> -> memref<16x768xf32, #tpu.memory_space<hbm>>
      %dma_wait3A_83 = arith.constant 0 : i32
      %dma_wait3A_84 = tpu.memref_slice %arg4[%mul3A_76, %dma_wait3A_83] : memref<512x768xf32, #tpu.memory_space<hbm>> -> memref<16x768xf32, #tpu.memory_space<hbm>>
      tpu.wait_dma2 semaphore(%run_scoped3A : memref<!tpu.dma_semaphore, #tpu.memory_space<semaphore_mem>>) src(%arg8 : memref<16x768xf32, #tpu.memory_space<vmem>>) dst(%dma_wait3A_84 : memref<16x768xf32, #tpu.memory_space<hbm>>)
      tpu.yield
    }) : () -> ()
    return
  }
}

module attributes {stable_mosaic.version = 14 : i64} {
  func.func @_topk_body(%arg0: i32, %arg1: memref<512x768xf32, #tpu.memory_space<vmem>>, %arg2: memref<2048x768xf32, #tpu.memory_space<vmem>>, %arg3: memref<2048x1xf32, #tpu.memory_space<vmem>>, %arg4: memref<1x2048xi32, #tpu.memory_space<vmem>>, %arg5: memref<512x1xi32, #tpu.memory_space<vmem>>, %arg6: memref<512x8xi32, #tpu.memory_space<vmem>>, %arg7: memref<512x768xbf16, #tpu.memory_space<vmem>>, %arg8: memref<512x128xf32, #tpu.memory_space<vmem>>, %arg9: memref<512x128xf32, #tpu.memory_space<vmem>>, %arg10: memref<512x2048xf32, #tpu.memory_space<vmem>>) attributes {dimension_semantics = [#tpu.dimension_semantics<arbitrary>], iteration_bounds = array<i64: 25>, scalar_prefetch = 0 : i64, scratch_operands = 4 : i64, tpu.core_type = #tpu.core_type<tc>, window_params = [{pipeline_mode = #tpu.pipeline_mode<synchronous>, transform_indices = @transform_0, window_bounds = array<i64: 512, 768>}, {transform_indices = @transform_1, window_bounds = array<i64: 2048, 768>}, {transform_indices = @transform_2, window_bounds = array<i64: 2048, 1>}, {transform_indices = @transform_3, window_bounds = array<i64: 1, 2048>}, {pipeline_mode = #tpu.pipeline_mode<synchronous>, transform_indices = @transform_4, window_bounds = array<i64: 512, 1>}, {pipeline_mode = #tpu.pipeline_mode<synchronous>, transform_indices = @transform_5, window_bounds = array<i64: 512, 8>}]} {
    %eq3A = arith.constant 0 : i32
    %eq3A_0 = arith.cmpi eq, %arg0, %eq3A : i32
    %convert_element_type3A = arith.extui %eq3A_0 : i1 to i32
    %cond3A = arith.constant 0 : i32
    %cond3A_1 = arith.cmpi ne, %convert_element_type3A, %cond3A : i32
    scf.if %cond3A_1 {
      %get3A_124 = arith.constant 0 : index
      %get3A_125 = arith.constant 0 : index
      %get3A_126 = vector.load %arg1[%get3A_124, %get3A_125] : memref<512x768xf32, #tpu.memory_space<vmem>>, vector<512x768xf32>
      %convert_element_type3A_127 = arith.truncf %get3A_126 : vector<512x768xf32> to vector<512x768xbf16>
      %swap3A_128 = arith.constant 0 : index
      %swap3A_129 = arith.constant 0 : index
      %swap3A_130 = vector.load %arg7[%swap3A_128, %swap3A_129] : memref<512x768xbf16, #tpu.memory_space<vmem>>, vector<512x768xbf16>
      tpu.vector_store %arg7[%swap3A_128, %swap3A_129], %convert_element_type3A_127 {strides = array<i32>} : memref<512x768xbf16, #tpu.memory_space<vmem>>, vector<512x768xbf16>,
      %broadcast_in_dim3A_131 = arith.constant 0xFF800000 : f32
      %broadcast_in_dim3A_132 = vector.broadcast %broadcast_in_dim3A_131 : f32 to vector<512x128xf32>
      %swap3A_133 = arith.constant 0 : index
      %swap3A_134 = arith.constant 0 : index
      %swap3A_135 = vector.load %arg8[%swap3A_133, %swap3A_134] : memref<512x128xf32, #tpu.memory_space<vmem>>, vector<512x128xf32>
      tpu.vector_store %arg8[%swap3A_133, %swap3A_134], %broadcast_in_dim3A_132 {strides = array<i32>} : memref<512x128xf32, #tpu.memory_space<vmem>>, vector<512x128xf32>,
      %broadcast_in_dim3A_136 = arith.constant 0.000000e+00 : f32
      %broadcast_in_dim3A_137 = vector.broadcast %broadcast_in_dim3A_136 : f32 to vector<512x128xf32>
      %swap3A_138 = arith.constant 0 : index
      %swap3A_139 = arith.constant 0 : index
      %swap3A_140 = vector.load %arg9[%swap3A_138, %swap3A_139] : memref<512x128xf32, #tpu.memory_space<vmem>>, vector<512x128xf32>
      tpu.vector_store %arg9[%swap3A_138, %swap3A_139], %broadcast_in_dim3A_137 {strides = array<i32>} : memref<512x128xf32, #tpu.memory_space<vmem>>, vector<512x128xf32>,
      %iota3A_141 = tpu.iota {dimensions = array<i32: 1>} : vector<512x2048xi32>
      %convert_element_type3A_142 = arith.sitofp %iota3A_141 : vector<512x2048xi32> to vector<512x2048xf32>
      %swap3A_143 = arith.constant 0 : index
      %swap3A_144 = arith.constant 0 : index
      %swap3A_145 = vector.load %arg10[%swap3A_143, %swap3A_144] : memref<512x2048xf32, #tpu.memory_space<vmem>>, vector<512x2048xf32>
      tpu.vector_store %arg10[%swap3A_143, %swap3A_144], %convert_element_type3A_142 {strides = array<i32>} : memref<512x2048xf32, #tpu.memory_space<vmem>>, vector<512x2048xf32>,
    } else {
    }
    %get3A = arith.constant 0 : index
    %get3A_2 = arith.constant 0 : index
    %get3A_3 = vector.load %arg2[%get3A, %get3A_2] : memref<2048x768xf32, #tpu.memory_space<vmem>>, vector<2048x768xf32>
    %get3A_4 = arith.constant 0 : index
    %get3A_5 = arith.constant 0 : index
    %get3A_6 = vector.load %arg3[%get3A_4, %get3A_5] : memref<2048x1xf32, #tpu.memory_space<vmem>>, vector<2048x1xf32>
    %max3A = arith.constant 9.99999993E-9 : f32
    %max3A_7 = vector.broadcast %max3A : f32 to vector<2048x1xf32>
    %max3A_8 = arith.maximumf %get3A_6, %max3A_7 : vector<2048x1xf32>
    %div3A = vector.broadcast %max3A_8 : vector<2048x1xf32> to vector<2048x768xf32>
    %div3A_9 = arith.divf %get3A_3, %div3A : vector<2048x768xf32>
    %convert_element_type3A_10 = arith.truncf %div3A_9 : vector<2048x768xf32> to vector<2048x768xbf16>
    %get3A_11 = arith.constant 0 : index
    %get3A_12 = arith.constant 0 : index
    %get3A_13 = vector.load %arg7[%get3A_11, %get3A_12] : memref<512x768xbf16, #tpu.memory_space<vmem>>, vector<512x768xbf16>
    %dot_general3A = arith.constant dense<0.000000e+00> : vector<512x2048xf32>
    %dot_general3A_14 = tpu.matmul %get3A_13, %convert_element_type3A_10, %dot_general3A {dimension_numbers = #tpu.dot_dimension_numbers<[1], [1], [0], [0], [0, 0, 1, 0], [], []>, transpose_lhs_hint = false} : vector<512x768xbf16>, vector<2048x768xbf16>, vector<512x2048xf32> -> vector<512x2048xf32>
    %iota3A = tpu.iota {dimensions = array<i32: 1>} : vector<1x2048xi32>
    %mul3A = arith.constant 2048 : i32
    %mul3A_15 = arith.muli %arg0, %mul3A : i32
    %sub3A = arith.constant 50000 : i32
    %sub3A_16 = arith.subi %sub3A, %mul3A_15 : i32
    %lt3A = vector.broadcast %sub3A_16 : i32 to vector<1x2048xi32>
    %lt3A_17 = arith.cmpi slt, %iota3A, %lt3A : vector<1x2048xi32>
    %get3A_18 = arith.constant 0 : index
    %get3A_19 = arith.constant 0 : index
    %get3A_20 = vector.load %arg4[%get3A_18, %get3A_19] : memref<1x2048xi32, #tpu.memory_space<vmem>>, vector<1x2048xi32>
    %jit3A = arith.constant -1 : i32
    %broadcast_in_dim3A = vector.broadcast %jit3A : i32 to vector<1x2048xi32>
    %select_n3A = arith.select %lt3A_17, %get3A_20, %broadcast_in_dim3A : vector<1x2048xi1>, vector<1x2048xi32>
    %get3A_21 = arith.constant 0 : index
    %get3A_22 = arith.constant 0 : index
    %get3A_23 = vector.load %arg5[%get3A_21, %get3A_22] : memref<512x1xi32, #tpu.memory_space<vmem>>, vector<512x1xi32>
    %eq3A_24 = vector.broadcast %select_n3A : vector<1x2048xi32> to vector<512x2048xi32>
    %eq3A_25 = vector.broadcast %get3A_23 : vector<512x1xi32> to vector<512x2048xi32>
    %eq3A_26 = arith.cmpi eq, %eq3A_24, %eq3A_25 : vector<512x2048xi32>
    %mul3A_27 = arith.constant 2048 : i32
    %mul3A_28 = arith.muli %arg0, %mul3A_27 : i32
    %convert_element_type3A_29 = arith.sitofp %mul3A_28 : i32 to f32
    %get3A_30 = arith.constant 0 : index
    %get3A_31 = arith.constant 0 : index
    %get3A_32 = vector.load %arg8[%get3A_30, %get3A_31] : memref<512x128xf32, #tpu.memory_space<vmem>>, vector<512x128xf32>
    %jit3A_33 = arith.constant 0xFF800000 : f32
    %broadcast_in_dim3A_34 = vector.broadcast %jit3A_33 : f32 to vector<512x2048xf32>
    %select_n3A_35 = arith.select %eq3A_26, %dot_general3A_14, %broadcast_in_dim3A_34 : vector<512x2048xi1>, vector<512x2048xf32>
    %concatenate3A = tpu.concatenate %get3A_32, %select_n3A_35 in 1 : vector<512x128xf32>, vector<512x2048xf32> -> vector<512x2176xf32>
    %get3A_36 = arith.constant 0 : index
    %get3A_37 = arith.constant 0 : index
    %get3A_38 = vector.load %arg9[%get3A_36, %get3A_37] : memref<512x128xf32, #tpu.memory_space<vmem>>, vector<512x128xf32>
    %get3A_39 = arith.constant 0 : index
    %get3A_40 = arith.constant 0 : index
    %get3A_41 = vector.load %arg10[%get3A_39, %get3A_40] : memref<512x2048xf32, #tpu.memory_space<vmem>>, vector<512x2048xf32>
    %add3A = vector.broadcast %convert_element_type3A_29 : f32 to vector<512x2048xf32>
    %add3A_42 = arith.addf %get3A_41, %add3A : vector<512x2048xf32>
    %concatenate3A_43 = tpu.concatenate %get3A_38, %add3A_42 in 1 : vector<512x128xf32>, vector<512x2048xf32> -> vector<512x2176xf32>
    %reduce_max3A = arith.constant dense<0xFF800000> : vector<512xf32>
    %reduce_max3A_44 = vector.multi_reduction <maximumf>, %concatenate3A, %reduce_max3A [1] : vector<512x2176xf32> to vector<512xf32>
    %broadcast_in_dim3A_45 = vector.shape_cast %reduce_max3A_44 : vector<512xf32> to vector<512x1xf32>
    %ge3A = vector.broadcast %broadcast_in_dim3A_45 : vector<512x1xf32> to vector<512x2176xf32>
    %ge3A_46 = arith.cmpf oge, %concatenate3A, %ge3A : vector<512x2176xf32>
    %jit3A_47 = arith.constant 1.000000e+09 : f32
    %broadcast_in_dim3A_48 = vector.broadcast %jit3A_47 : f32 to vector<512x2176xf32>
    %select_n3A_49 = arith.select %ge3A_46, %concatenate3A_43, %broadcast_in_dim3A_48 : vector<512x2176xi1>, vector<512x2176xf32>
    %reduce_min3A = arith.constant dense<0x7F800000> : vector<512xf32>
    %reduce_min3A_50 = vector.multi_reduction <minimumf>, %select_n3A_49, %reduce_min3A [1] : vector<512x2176xf32> to vector<512xf32>
    %broadcast_in_dim3A_51 = vector.shape_cast %reduce_min3A_50 : vector<512xf32> to vector<512x1xf32>
    %jit3A_52 = arith.constant 0xFF800000 : f32
    %broadcast_in_dim3A_53 = vector.broadcast %jit3A_52 : f32 to vector<512x2176xf32>
    %select_n3A_54 = arith.select %ge3A_46, %broadcast_in_dim3A_53, %concatenate3A : vector<512x2176xi1>, vector<512x2176xf32>
    %reduce_max3A_55 = arith.constant dense<0xFF800000> : vector<512xf32>
    %reduce_max3A_56 = vector.multi_reduction <maximumf>, %select_n3A_54, %reduce_max3A_55 [1] : vector<512x2176xf32> to vector<512xf32>
    %broadcast_in_dim3A_57 = vector.shape_cast %reduce_max3A_56 : vector<512xf32> to vector<512x1xf32>
    %ge3A_58 = vector.broadcast %broadcast_in_dim3A_57 : vector<512x1xf32> to vector<512x2176xf32>
    %ge3A_59 = arith.cmpf oge, %select_n3A_54, %ge3A_58 : vector<512x2176xf32>
    %jit3A_60 = arith.constant 1.000000e+09 : f32
    %broadcast_in_dim3A_61 = vector.broadcast %jit3A_60 : f32 to vector<512x2176xf32>
    %select_n3A_62 = arith.select %ge3A_59, %concatenate3A_43, %broadcast_in_dim3A_61 : vector<512x2176xi1>, vector<512x2176xf32>
    %reduce_min3A_63 = arith.constant dense<0x7F800000> : vector<512xf32>
    %reduce_min3A_64 = vector.multi_reduction <minimumf>, %select_n3A_62, %reduce_min3A_63 [1] : vector<512x2176xf32> to vector<512xf32>
    %broadcast_in_dim3A_65 = vector.shape_cast %reduce_min3A_64 : vector<512xf32> to vector<512x1xf32>
    %jit3A_66 = arith.constant 0xFF800000 : f32
    %broadcast_in_dim3A_67 = vector.broadcast %jit3A_66 : f32 to vector<512x2176xf32>
    %select_n3A_68 = arith.select %ge3A_59, %broadcast_in_dim3A_67, %select_n3A_54 : vector<512x2176xi1>, vector<512x2176xf32>
    %reduce_max3A_69 = arith.constant dense<0xFF800000> : vector<512xf32>
    %reduce_max3A_70 = vector.multi_reduction <maximumf>, %select_n3A_68, %reduce_max3A_69 [1] : vector<512x2176xf32> to vector<512xf32>
    %broadcast_in_dim3A_71 = vector.shape_cast %reduce_max3A_70 : vector<512xf32> to vector<512x1xf32>
    %ge3A_72 = vector.broadcast %broadcast_in_dim3A_71 : vector<512x1xf32> to vector<512x2176xf32>
    %ge3A_73 = arith.cmpf oge, %select_n3A_68, %ge3A_72 : vector<512x2176xf32>
    %jit3A_74 = arith.constant 1.000000e+09 : f32
    %broadcast_in_dim3A_75 = vector.broadcast %jit3A_74 : f32 to vector<512x2176xf32>
    %select_n3A_76 = arith.select %ge3A_73, %concatenate3A_43, %broadcast_in_dim3A_75 : vector<512x2176xi1>, vector<512x2176xf32>
    %reduce_min3A_77 = arith.constant dense<0x7F800000> : vector<512xf32>
    %reduce_min3A_78 = vector.multi_reduction <minimumf>, %select_n3A_76, %reduce_min3A_77 [1] : vector<512x2176xf32> to vector<512xf32>
    %broadcast_in_dim3A_79 = vector.shape_cast %reduce_min3A_78 : vector<512xf32> to vector<512x1xf32>
    %jit3A_80 = arith.constant 0xFF800000 : f32
    %broadcast_in_dim3A_81 = vector.broadcast %jit3A_80 : f32 to vector<512x2176xf32>
    %select_n3A_82 = arith.select %ge3A_73, %broadcast_in_dim3A_81, %select_n3A_68 : vector<512x2176xi1>, vector<512x2176xf32>
    %reduce_max3A_83 = arith.constant dense<0xFF800000> : vector<512xf32>
    %reduce_max3A_84 = vector.multi_reduction <maximumf>, %select_n3A_82, %reduce_max3A_83 [1] : vector<512x2176xf32> to vector<512xf32>
    %broadcast_in_dim3A_85 = vector.shape_cast %reduce_max3A_84 : vector<512xf32> to vector<512x1xf32>
    %ge3A_86 = vector.broadcast %broadcast_in_dim3A_85 : vector<512x1xf32> to vector<512x2176xf32>
    %ge3A_87 = arith.cmpf oge, %select_n3A_82, %ge3A_86 : vector<512x2176xf32>
    %jit3A_88 = arith.constant 1.000000e+09 : f32
    %broadcast_in_dim3A_89 = vector.broadcast %jit3A_88 : f32 to vector<512x2176xf32>
    %select_n3A_90 = arith.select %ge3A_87, %concatenate3A_43, %broadcast_in_dim3A_89 : vector<512x2176xi1>, vector<512x2176xf32>
    %reduce_min3A_91 = arith.constant dense<0x7F800000> : vector<512xf32>
    %reduce_min3A_92 = vector.multi_reduction <minimumf>, %select_n3A_90, %reduce_min3A_91 [1] : vector<512x2176xf32> to vector<512xf32>
    %broadcast_in_dim3A_93 = vector.shape_cast %reduce_min3A_92 : vector<512xf32> to vector<512x1xf32>
    %jit3A_94 = arith.constant 0xFF800000 : f32
    %broadcast_in_dim3A_95 = vector.broadcast %jit3A_94 : f32 to vector<512x2176xf32>
    %select_n3A_96 = arith.select %ge3A_87, %broadcast_in_dim3A_95, %select_n3A_82 : vector<512x2176xi1>, vector<512x2176xf32>
    %reduce_max3A_97 = arith.constant dense<0xFF800000> : vector<512xf32>
    %reduce_max3A_98 = vector.multi_reduction <maximumf>, %select_n3A_96, %reduce_max3A_97 [1] : vector<512x2176xf32> to vector<512xf32>
    %broadcast_in_dim3A_99 = vector.shape_cast %reduce_max3A_98 : vector<512xf32> to vector<512x1xf32>
    %ge3A_100 = vector.broadcast %broadcast_in_dim3A_99 : vector<512x1xf32> to vector<512x2176xf32>
    %ge3A_101 = arith.cmpf oge, %select_n3A_96, %ge3A_100 : vector<512x2176xf32>
    %jit3A_102 = arith.constant 1.000000e+09 : f32
    %broadcast_in_dim3A_103 = vector.broadcast %jit3A_102 : f32 to vector<512x2176xf32>
    %select_n3A_104 = arith.select %ge3A_101, %concatenate3A_43, %broadcast_in_dim3A_103 : vector<512x2176xi1>, vector<512x2176xf32>
    %reduce_min3A_105 = arith.constant dense<0x7F800000> : vector<512xf32>
    %reduce_min3A_106 = vector.multi_reduction <minimumf>, %select_n3A_104, %reduce_min3A_105 [1] : vector<512x2176xf32> to vector<512xf32>
    %broadcast_in_dim3A_107 = vector.shape_cast %reduce_min3A_106 : vector<512xf32> to vector<512x1xf32>
    %broadcast_in_dim3A_108 = arith.constant 0xFF800000 : f32
    %broadcast_in_dim3A_109 = vector.broadcast %broadcast_in_dim3A_108 : f32 to vector<512x3xf32>
    %concatenate3A_110 = tpu.concatenate %broadcast_in_dim3A_45, %broadcast_in_dim3A_57, %broadcast_in_dim3A_71, %broadcast_in_dim3A_85, %broadcast_in_dim3A_99, %broadcast_in_dim3A_109 in 1 : vector<512x1xf32>, vector<512x1xf32>, vector<512x1xf32>, vector<512x1xf32>, vector<512x1xf32>, vector<512x3xf32> -> vector<512x8xf32>
    %swap3A = arith.constant 0 : index
    %swap3A_111 = arith.constant 0 : index
    %swap3A_112 = vector.load %arg8[%swap3A, %swap3A_111] : memref<512x128xf32, #tpu.memory_space<vmem>>, vector<512x8xf32>
    tpu.vector_store %arg8[%swap3A, %swap3A_111], %concatenate3A_110 {strides = array<i32>} : memref<512x128xf32, #tpu.memory_space<vmem>>, vector<512x8xf32>,
    %broadcast_in_dim3A_113 = arith.constant 0.000000e+00 : f32
    %broadcast_in_dim3A_114 = vector.broadcast %broadcast_in_dim3A_113 : f32 to vector<512x3xf32>
    %concatenate3A_115 = tpu.concatenate %broadcast_in_dim3A_51, %broadcast_in_dim3A_65, %broadcast_in_dim3A_79, %broadcast_in_dim3A_93, %broadcast_in_dim3A_107, %broadcast_in_dim3A_114 in 1 : vector<512x1xf32>, vector<512x1xf32>, vector<512x1xf32>, vector<512x1xf32>, vector<512x1xf32>, vector<512x3xf32> -> vector<512x8xf32>
    %swap3A_116 = arith.constant 0 : index
    %swap3A_117 = arith.constant 0 : index
    %swap3A_118 = vector.load %arg9[%swap3A_116, %swap3A_117] : memref<512x128xf32, #tpu.memory_space<vmem>>, vector<512x8xf32>
    tpu.vector_store %arg9[%swap3A_116, %swap3A_117], %concatenate3A_115 {strides = array<i32>} : memref<512x128xf32, #tpu.memory_space<vmem>>, vector<512x8xf32>,
    %eq3A_119 = arith.constant 24 : i32
    %eq3A_120 = arith.cmpi eq, %arg0, %eq3A_119 : i32
    %convert_element_type3A_121 = arith.extui %eq3A_120 : i1 to i32
    %cond3A_122 = arith.constant 0 : i32
    %cond3A_123 = arith.cmpi ne, %convert_element_type3A_121, %cond3A_122 : i32
    scf.if %cond3A_123 {
      %convert_element_type3A_124 = arith.fptosi %concatenate3A_115 : vector<512x8xf32> to vector<512x8xi32>
      %swap3A_125 = arith.constant 0 : index
      %swap3A_126 = arith.constant 0 : index
      %swap3A_127 = vector.load %arg6[%swap3A_125, %swap3A_126] : memref<512x8xi32, #tpu.memory_space<vmem>>, vector<512x8xi32>
      tpu.vector_store %arg6[%swap3A_125, %swap3A_126], %convert_element_type3A_124 {strides = array<i32>} : memref<512x8xi32, #tpu.memory_space<vmem>>, vector<512x8xi32>,
    } else {
    }
    return
  }
  func.func @transform_0(%arg0: i32) -> (i32, i32) {
    %c0_i32 = arith.constant 0 : i32
    %c0_i32_0 = arith.constant 0 : i32
    %c0_i32_1 = arith.constant 0 : i32
    return %c0_i32, %c0_i32_0 : i32, i32
  }
  func.func @transform_1(%arg0: i32) -> (i32, i32) {
    %c0_i32 = arith.constant 0 : i32
    %c0_i32_0 = arith.constant 0 : i32
    return %arg0, %c0_i32 : i32, i32
  }
  func.func @transform_2(%arg0: i32) -> (i32, i32) {
    %c0_i32 = arith.constant 0 : i32
    %c0_i32_0 = arith.constant 0 : i32
    return %arg0, %c0_i32 : i32, i32
  }
  func.func @transform_3(%arg0: i32) -> (i32, i32) {
    %c0_i32 = arith.constant 0 : i32
    %c0_i32_0 = arith.constant 0 : i32
    return %c0_i32, %arg0 : i32, i32
  }
  func.func @transform_4(%arg0: i32) -> (i32, i32) {
    %c0_i32 = arith.constant 0 : i32
    %c0_i32_0 = arith.constant 0 : i32
    %c0_i32_1 = arith.constant 0 : i32
    return %c0_i32, %c0_i32_0 : i32, i32
  }
  func.func @transform_5(%arg0: i32) -> (i32, i32) {
    %c0_i32 = arith.constant 0 : i32
    %c0_i32_0 = arith.constant 0 : i32
    %c0_i32_1 = arith.constant 0 : i32
    return %c0_i32, %c0_i32_0 : i32, i32
  }
}

module attributes {stable_mosaic.version = 14 : i64} {
  func.func @_mlp_body(%arg0: memref<512x768xf32, #tpu.memory_space<vmem>>, %arg1: memref<512x768xf32, #tpu.memory_space<vmem>>, %arg2: memref<768x1536xf32, #tpu.memory_space<vmem>>, %arg3: memref<1x768xf32, #tpu.memory_space<vmem>>, %arg4: memref<768x768xf32, #tpu.memory_space<vmem>>, %arg5: memref<1x768xf32, #tpu.memory_space<vmem>>, %arg6: memref<512x768xf32, #tpu.memory_space<vmem>>, %arg7: memref<512x1536xf32, #tpu.memory_space<vmem>>) attributes {dimension_semantics = [], scalar_prefetch = 0 : i64, scratch_operands = 1 : i64, tpu.core_type = #tpu.core_type<tc>} {
    %get3A = arith.constant 0 : index
    %get3A_0 = arith.constant 0 : index
    %get3A_1 = vector.load %arg0[%get3A, %get3A_0] : memref<512x768xf32, #tpu.memory_space<vmem>>, vector<512x768xf32>
    %swap3A = arith.constant 0 : index
    %swap3A_2 = arith.constant 0 : index
    %swap3A_3 = vector.load %arg7[%swap3A, %swap3A_2] : memref<512x1536xf32, #tpu.memory_space<vmem>>, vector<512x768xf32>
    tpu.vector_store %arg7[%swap3A, %swap3A_2], %get3A_1 {strides = array<i32>} : memref<512x1536xf32, #tpu.memory_space<vmem>>, vector<512x768xf32>,
    %get3A_4 = arith.constant 0 : index
    %get3A_5 = arith.constant 0 : index
    %get3A_6 = vector.load %arg1[%get3A_4, %get3A_5] : memref<512x768xf32, #tpu.memory_space<vmem>>, vector<512x768xf32>
    %mul3A = arith.constant 2.000000e-01 : f32
    %mul3A_7 = vector.broadcast %mul3A : f32 to vector<512x768xf32>
    %mul3A_8 = arith.mulf %get3A_6, %mul3A_7 : vector<512x768xf32>
    %swap3A_9 = arith.constant 0 : index
    %swap3A_10 = arith.constant 768 : index
    %swap3A_11 = vector.load %arg7[%swap3A_9, %swap3A_10] : memref<512x1536xf32, #tpu.memory_space<vmem>>, vector<512x768xf32>
    tpu.vector_store %arg7[%swap3A_9, %swap3A_10], %mul3A_8 {strides = array<i32>} : memref<512x1536xf32, #tpu.memory_space<vmem>>, vector<512x768xf32>,
    %get3A_12 = arith.constant 0 : index
    %get3A_13 = arith.constant 0 : index
    %get3A_14 = vector.load %arg7[%get3A_12, %get3A_13] : memref<512x1536xf32, #tpu.memory_space<vmem>>, vector<512x1536xf32>
    %get3A_15 = arith.constant 0 : index
    %get3A_16 = arith.constant 0 : index
    %get3A_17 = vector.load %arg2[%get3A_15, %get3A_16] : memref<768x1536xf32, #tpu.memory_space<vmem>>, vector<768x1536xf32>
    %dot_general3A = arith.constant dense<0.000000e+00> : vector<512x768xf32>
    %dot_general3A_18 = tpu.matmul %get3A_14, %get3A_17, %dot_general3A {dimension_numbers = #tpu.dot_dimension_numbers<[1], [1], [0], [0], [0, 0, 1, 0], [], []>, transpose_lhs_hint = false} : vector<512x1536xf32>, vector<768x1536xf32>, vector<512x768xf32> -> vector<512x768xf32>
    %get3A_19 = arith.constant 0 : index
    %get3A_20 = arith.constant 0 : index
    %get3A_21 = vector.load %arg3[%get3A_19, %get3A_20] : memref<1x768xf32, #tpu.memory_space<vmem>>, vector<1x768xf32>
    %add3A = vector.broadcast %get3A_21 : vector<1x768xf32> to vector<512x768xf32>
    %add3A_22 = arith.addf %dot_general3A_18, %add3A : vector<512x768xf32>
    %logistic3A = arith.negf %add3A_22 : vector<512x768xf32>
    %logistic3A_23 = math.exp %logistic3A : vector<512x768xf32>
    %logistic3A_24 = arith.constant 1.000000e+00 : f32
    %logistic3A_25 = vector.broadcast %logistic3A_24 : f32 to vector<512x768xf32>
    %logistic3A_26 = arith.addf %logistic3A_25, %logistic3A_23 : vector<512x768xf32>
    %logistic3A_27 = arith.divf %logistic3A_25, %logistic3A_26 : vector<512x768xf32>
    %mul3A_28 = arith.mulf %add3A_22, %logistic3A_27 : vector<512x768xf32>
    %get3A_29 = arith.constant 0 : index
    %get3A_30 = arith.constant 0 : index
    %get3A_31 = vector.load %arg4[%get3A_29, %get3A_30] : memref<768x768xf32, #tpu.memory_space<vmem>>, vector<768x768xf32>
    %dot_general3A_32 = arith.constant dense<0.000000e+00> : vector<512x768xf32>
    %dot_general3A_33 = tpu.matmul %mul3A_28, %get3A_31, %dot_general3A_32 {dimension_numbers = #tpu.dot_dimension_numbers<[1], [1], [0], [0], [0, 0, 1, 0], [], []>, transpose_lhs_hint = false} : vector<512x768xf32>, vector<768x768xf32>, vector<512x768xf32> -> vector<512x768xf32>
    %get3A_34 = arith.constant 0 : index
    %get3A_35 = arith.constant 0 : index
    %get3A_36 = vector.load %arg5[%get3A_34, %get3A_35] : memref<1x768xf32, #tpu.memory_space<vmem>>, vector<1x768xf32>
    %add3A_37 = vector.broadcast %get3A_36 : vector<1x768xf32> to vector<512x768xf32>
    %add3A_38 = arith.addf %dot_general3A_33, %add3A_37 : vector<512x768xf32>
    %swap3A_39 = arith.constant 0 : index
    %swap3A_40 = arith.constant 0 : index
    %swap3A_41 = vector.load %arg6[%swap3A_39, %swap3A_40] : memref<512x768xf32, #tpu.memory_space<vmem>>, vector<512x768xf32>
    tpu.vector_store %arg6[%swap3A_39, %swap3A_40], %add3A_38 {strides = array<i32>} : memref<512x768xf32, #tpu.memory_space<vmem>>, vector<512x768xf32>,
    return
  }
}

</mosaic_0001>

<sc_bundles>
// kernel: kernel.5.cloned.1.call-start
scs
__scs_entry_jumppad:
0x0: {  	(pc) =	sbr.rel $0x88, $3  }
0x1: {  	(tag) =	ssettag $0x0;
	lr =	simm.s32 $0x1  }
0x2: {  	[smem:$0x3F99] =	sst lr;
	_ =	strace $0xD0000000  }
0x3: {  	_ = 	snop  }
0x4: {  	_ = 	snop  }
0x5: {  	_ = 	snop  }
0x6: {  	_ = 	snop  }
0x7: {  	_ = 	snop  }
__scs_overlays_trampoline_lowered:
0x8: {  	[smem:$0x3FA8] =	sst s0  }
0x9: {  	[smem:$0x3FA9] =	sst s1  }
0xa: {  	[smem:$0x3FAA] =	sst s2  }
0xb: {  	[smem:$0x3FAB] =	sst s3  }
0xc: {  	[smem:$0x3FAC] =	sst s4  }
0xd: {  	[smem:$0x3FAD] =	sst s5  }
0xe: {  	[smem:$0x3FAE] =	sst s6  }
0xf: {  	[smem:$0x3FAF] =	sst s7  }
0x10: {  	[smem:$0x3FB0] =	sst s8  }
0x11: {  	[smem:$0x3FB1] =	sst s9;
	s0 =	simm.s32 @!p0 $0x0  }
0x12: {  	s1 =	sld [smem:$0x3F97];
	s0 =	simm.s32 @p0 $0x1  }
0x13: {  	[smem:$0x3FB2] =	sst s0;
	s0 =	simm.s32 @!p1 $0x0  }
0x14: {  	s2 =	sld [smem:$0x3F96];
	s0 =	simm.s32 @p1 $0x1  }
0x15: {  	[smem:$0x3FB3] =	sst s0;
	s0 =	simm.s32 @!p2 $0x0  }
0x16: {  	s3 =	sld [smem:$0x3FDB];
	s0 =	simm.s32 @p2 $0x1  }
0x17: {  	s4 =	simm.s32 $0x1BF5;
	[smem:$0x3FB5] =	sst s0  }
0x18: {  	s0 =	sld [smem:$0x3F98];
	_ =	swait.ge [sflag:s4], $0x0  }
0x19: {  	s7 =	sld [smem:$0x3F99]  }
0x1a: {  	s8 =	sadd.s32 $0xFFFFE003, lr  }
0x1b: {  	s9 =	sadd.s32 $0xFFFFFEF7, lr;
	s5 =	simm.s32 $0xFFFFFFFF;
	p2 =	slt.u32 s8, $0xFFFFF086  }
0x1c: {  	p1 =	slt.u32 s9, $0xF7A;
	s5 =	simm.s32 @!p2 $0x0  }
0x1d: {  	s5 =	simm.s32 @p1 $0x1;
	p0 =	seq.s32 s7, s2  }
0x1e: {  	s7 =	smul.u32 @!p0 $0xF7A, s2;
	p2 =	seq.s32 @!p0 s5, $0x0  }
0x1f: {  	s9 =	smul.u32 $0xF7A, s1;
	s8 =	simm.s32 @!p0 $0x1BF5;
	p2 =	por !p2, p0  }
0x20: {  	[sflag:s8] =	ssyncset.s32 @!p0 $0xFFFFF086;
	s6 =	sadd.s32 @!p0 s3, s7;
	s7 =	simm.s32 @!p0 $0x108  }
0x21: {  	s3 =	sadd.s32 s3, s9;
	s6 =	sadd.s32 @!p0 $0x88, s6;
	s7 =	simm.s32 @p2 $0x1082  }
0x22: {  	[simem:s7], [sflag:s8] =	dma.local @!p0 [hbm:s6], $0xF7A  }
0x23: {  	s9 =	sor.u32 $0xD0000000, s2;
	s6 =	simm.s32 $0x108;
	_ =	swait.ge @!p0 [sflag:s8], $0x0  }
0x24: {  	s3 =	sadd.s32 $0x88, s3;
	s6 =	simm.s32 @!p1 $0x1082;
	[sflag:s4] =	ssyncset.s32 $0xFFFFF086  }
0x25: {  	[simem:s6], [sflag:s4] =	dma.local [hbm:s3], $0xF7A  }
0x26: {  	[smem:$0x3F99] =	sst s1;
	(tag) =	ssettag s2;
	_ =	strace s9  }
0x27: {  	s1 =	sld [smem:$0x3FA9]  }
0x28: {  	s2 =	sld [smem:$0x3FAA]  }
0x29: {  	s4 =	sld [smem:$0x3FAC]  }
0x2a: {  	p0 =	seq.s32 s5, $0x0;
	s5 =	sld [smem:$0x3FAD]  }
0x2b: {  	s6 =	sld [smem:$0x3FAE]  }
0x2c: {  	s7 =	sld [smem:$0x3FAF]  }
0x2d: {  	s3 =	simm.s32 $0x108;
	s8 =	sld [smem:$0x3FB0]  }
0x2e: {  	s3 =	simm.s32 @!p0 $0x1082;
	s9 =	sld [smem:$0x3FB1]  }
0x2f: {  	lr =	sadd.s32 s0, s3;
	s0 =	sld [smem:$0x3FA8]  }
0x30: {  	s3 =	sld [smem:$0x3FAB]  }
0x31: {  	[smem:$0x3FB4] =	sst s10  }
0x32: {  	s10 =	sld [smem:$0x3FB2];
	_ =	sdelay $0x3  }
0x33: {  	p0 =	seq.s32 s10, $0x1;
	s10 =	sld [smem:$0x3FB4];
	_ =	sdelay $0x3  }
0x34: {  	[smem:$0x3FB4] =	sst s10  }
0x35: {  	s10 =	sld [smem:$0x3FB3];
	_ =	sdelay $0x3  }
0x36: {  	p1 =	seq.s32 s10, $0x1;
	s10 =	sld [smem:$0x3FB4];
	_ =	sdelay $0x3  }
0x37: {  	[smem:$0x3FB4] =	sst s10  }
0x38: {  	s10 =	sld [smem:$0x3FB5]  }
0x39: {  	_ = 	snop;
	(pc) =	sbr.ind lr, $3  }
0x3a: {  	_ = 	snop  }
0x3b: {  	_ = 	snop  }
0x3c: {  	p2 =	seq.s32 s10, $0x1;
	s10 =	sld [smem:$0x3FB4]  }
0x3d: {  	_ =	shalt  }
0x3e: {  	_ =	shalt  }
0x3f: {  	_ =	shalt  }
0x40: {  	_ =	shalt  }
0x41: {  	_ =	shalt  }
0x42: {  	_ =	shalt  }
0x43: {  	_ =	shalt  }
0x44: {  	_ =	shalt  }
0x45: {  	_ =	shalt  }
0x46: {  	_ =	shalt  }
0x47: {  	_ =	shalt  }
0x48: {  	_ =	shalt  }
0x49: {  	_ =	shalt  }
0x4a: {  	_ =	shalt  }
0x4b: {  	_ =	shalt  }
0x4c: {  	_ =	shalt  }
0x4d: {  	_ =	shalt  }
0x4e: {  	_ =	shalt  }
0x4f: {  	_ =	shalt  }
0x50: {  	_ =	shalt  }
0x51: {  	_ =	shalt  }
0x52: {  	_ =	shalt  }
0x53: {  	_ =	shalt  }
0x54: {  	_ =	shalt  }
0x55: {  	_ =	shalt  }
0x56: {  	_ =	shalt  }
0x57: {  	_ =	shalt  }
0x58: {  	_ =	shalt  }
0x59: {  	_ =	shalt  }
0x5a: {  	_ =	shalt  }
0x5b: {  	_ =	shalt  }
0x5c: {  	_ =	shalt  }
0x5d: {  	_ =	shalt  }
0x5e: {  	_ =	shalt  }
0x5f: {  	_ =	shalt  }
0x60: {  	_ =	shalt  }
0x61: {  	_ =	shalt  }
0x62: {  	_ =	shalt  }
0x63: {  	_ =	shalt  }
0x64: {  	_ =	shalt  }
0x65: {  	_ =	shalt  }
0x66: {  	_ =	shalt  }
0x67: {  	_ =	shalt  }
0x68: {  	_ =	shalt  }
0x69: {  	_ =	shalt  }
0x6a: {  	_ =	shalt  }
0x6b: {  	_ =	shalt  }
0x6c: {  	_ =	shalt  }
0x6d: {  	_ =	shalt  }
0x6e: {  	_ =	shalt  }
0x6f: {  	_ =	shalt  }
0x70: {  	_ =	shalt  }
0x71: {  	_ =	shalt  }
0x72: {  	_ =	shalt  }
0x73: {  	_ =	shalt  }
0x74: {  	_ =	shalt  }
0x75: {  	_ =	shalt  }
0x76: {  	_ =	shalt  }
0x77: {  	_ =	shalt  }
0x78: {  	_ =	shalt  }
0x79: {  	_ =	shalt  }
0x7a: {  	_ =	shalt  }
0x7b: {  	_ =	shalt  }
0x7c: {  	_ =	shalt  }
0x7d: {  	_ =	shalt  }
0x7e: {  	_ =	shalt  }
0x7f: {  	_ =	shalt  }
0x80: {  	_ =	shalt  }
0x81: {  	_ =	shalt  }
0x82: {  	_ =	shalt  }
0x83: {  	_ =	shalt  }
0x84: {  	_ =	shalt  }
0x85: {  	_ =	shalt  }
0x86: {  	_ =	shalt  }
0x87: {  	_ =	shalt  }
.Lfunc_end0:
.L_simem_size_0:
called_computation_lowered:
.L_overlay_start_0:
0x88: {  	s2 =	sld [smem:$0x3FD9]  }
0x89: {  	s3 =	sld [smem:$0x3FFE];
	_ =	sdelay $0x1  }
0x8a: {  	s1 =	srdreg.scid  }
0x8b: {  	s0 =	sand.u32 $0x1, s1  }
0x8c: {  	s17 =	sshll.u32 s0, $0xA;
	s2 =	sadd.s32 s3, s2  }
0x8d: {  	s2 =	sadd.s32 s2, s17  }
0x8e: {  	[smem:$0x3FC0] =	sst s2  }
0x8f: {  	_ = 	snop  }
0x90: {  	s2 =	sld [smem:$0x3FC7]  }
0x91: {  	s18 =	sld [smem:$0x3FD0];
	(tm) =	ssettm $0x1  }
0x92: {  	s4 =	sld [smem:$0x3FFB];
	_ =	sdelay $0x3  }
0x93: {  	_ =	strace s4  }
0x94: {  	s4 =	sld [smem:$0x3FFC];
	_ =	sdelay $0x3  }
0x95: {  	_ =	strace s4  }
0x96: {  	s4 =	sld [smem:$0x3FFD];
	_ =	sdelay $0x3  }
0x97: {  	_ =	strace s4  }
0x98: {  	_ =	strace $0x8FFFFFFF  }
0x99: {  	s19 =	sld [smem:$0x3FDB];
	_ =	sdelay $0x1  }
0x9a: {  	s5 =	simm.s32 $_scs_section_size  }
0x9b: {  	s6 =	simm.s32 $_size__tile_overlayer_lowered;
	s7 =	simm.s32 $_tile_overlayer_lowered  }
0x9c: {  	s22 =	simm.s32 $0x1BFF;
	s21 =	sshll.u32 s7, $0x1;
	s4 =	sadd.s32 s5, s19  }
0x9d: {  	s8 =	simm.s32 $0x0;
	s20 =	sshll.u32 s6, $0x1;
	s6 =	sadd.s32 s21, s4  }
0x9e: {  	[timem:s8], [sflag:s22] =	dma.local [hbm:s6], s20  }
0x9f: {  	_ =	swait.ge [sflag:s22], s20  }
0xa0: {  	s5 =	ssub.s32 $0x0, s20;
	[sflag:s22] =	ssyncset.done $0x0  }
0xa1: {  	[sflag:s22] =	ssyncadd.s32 s5;
	_ =	sdelay $0x1  }
0xa2: {  	s23 =	simm.s32 $0x1B8B  }
0xa3: {  	_ =	swait.ge [sflag:s23], $0x1  }
0xa4: {  	[sflag:s23] =	ssyncset.done $0x0  }
0xa5: {  	s25 =	simm.s32 $0x1B8E;
	s24 =	sld [smem:$0x3FFE];
	[sflag:s23] =	ssyncadd.s32 $0xFFFFFFFF  }
0xa6: {  	s26 =	simm.s32 $execute0_lowered;
	[smem:$0x3FD2] =	sst s25  }
0xa7: {  	s6 =	sshll.u32 s26, $0x1;
	_ =	strace $0x80000046;
	[dreg:$0x1] =	wrdreg $0xFFFFFFFF  }
0xa8: {  	s28 =	simm.s32 $_size_execute0_lowered;
	s4 =	sadd.s32 s4, s6;
	[dreg:$0x0] =	wrdreg $0x0  }
0xa9: {  	s6 =	sshll.u32 s28, $0x1;
	[dreg:$0x2] =	wrdreg s4  }
0xaa: {  	[dreg:$0x3] =	wrdreg s6  }
0xab: {  	[dreg:$0x4] =	wrdreg $0xC0  }
0xac: {  	_ =	task [dreg:s8], $0x5FFFF  }
0xad: {  	[dreg:$0x1] =	wrdreg $0xFFFFFFFF  }
0xae: {  	[dreg:$0x0] =	wrdreg $0x60  }
0xaf: {  	[dreg:$0x2] =	wrdreg s24  }
0xb0: {  	[dreg:$0x3] =	wrdreg s2  }
0xb1: {  	[dreg:$0x4] =	wrdreg s18  }
0xb2: {  	[dreg:$0x5] =	wrdreg $0x9  }
0xb3: {  	_ =	task.clear_ibuf [dreg:s8], $0x6FFFF;
	_ =	strace $0x90000046  }
0xb4: {  	s29 =	simm.s32 $0x9;
	_ =	strace $0x80000048  }
0xb5: {  	_ =	swait.ge [sflag:s29], $0x1  }
0xb6: {  	[sflag:s29] =	ssyncadd.s32 $0xFFFFFFFF  }
0xb7: {  	_ =	strace $0x90000048  }
0xb8: {  	_ =	sfence  }
0xb9: {  	s30 =	sld [smem:$0x0];
	_ =	sdelay $0x2  }
0xba: {  	s31 =	sshll.u32 s1, $0xD;
	s1 =	sshrl.u32 s1, $0x2  }
0xbb: {  	s3 =	sand.u32 $0x4000, s31;
	s1 =	sadd.s32 s1, s30  }
0xbc: {  	s0 =	sor.u32 s3, s0;
	s1 =	sshll.u32 s1, $0x11  }
0xbd: {  	s0 =	sor.u32 s1, s0  }
0xbe: {  	s0 =	sadd.s32 $0x8F2B, s0  }
0xbf: {  	[sflag:s0] =	ssyncadd.remote.s32 $0x1  }
0xc0: {  	_ =	sfence.sel $0xFFFF  }
0xc1: {  	[dreg:$0x0] =	wrdreg $0xFFFFFFFF;
	(pc) =	sbr.abs _section_cstart, $3  }
0xc2: {  	[dreg:$0x1] =	wrdreg $0xFFFFFFFF  }
0xc3: {  	_ =	task.clear_ibuf [dreg:s8], $0x2FFFF;
	_ =	strace $0x9FFFFFFF  }
0xc4: {  	(tm) =	ssettm $0x7FFFFFFF  }
0xc5: {  	_ =	shalt  }
tec
execute0_lowered:
.L_overlay_start_1:
0x0: {  	(tag) =	ssettag $0x1  }
0x1: {  	s0 =	rddreg [dreg:$0x0]  }
0x2: {  	s5 =	rddreg [dreg:$0x1];
	s1 =	srdreg.scid  }
0x3: {  	s3 =	stileid.u32;
	s2 =	rddreg [dreg:$0x2];
	s6 =	simm.s32 $0x0  }
0x4: {  	s1 =	sand.u32 $0x1, s1;
	s3 =	sshll.u32 s3, $0x1;
	[smem:$0x7FF] =	sst s6  }
0x5: {  	s28 =	sadd.s32 $0x100, s5;
	s29 =	sadd.s32 $0x200, s5;
	s3 =	sor.u32 s1, s3  }
0x6: {  	v12 =	vlaneseq.u32;
	s1 =	ssub.s32 $0x2, s1;
	_ =	strace $0x80000047;
	s4 =	sshll.u32 s3, $0x4  }
0x7: {  	vm0 =	vmmov $0xffff;
	v0 =	vmul.u32 $0x8, v12;
	v1 =	vmul.u32 $0x5, v12;
	[dreg:$0xd] =	wrdreg s28;
	s3 =	smul.u32 $0x600, s3;
	s0 =	sadd.s32 s4, s0  }
0x8: {  	v11 =	vshrl.u32 v12, $0x3;
	v10 =	vand.u32 $0x7, v12;
	v12 =	vor.u32 $0x8, v12;
	[dreg:$0xe] =	wrdreg s29;
	s26 =	sshrl.u32 s1, $0x1;
	s0 =	sadd.s32 $0x1200, s0  }
0x9: {  	v11 =	vmul.u32 $0x8, v11;
	v2 =	vor.u32 $0x1, v0;
	v3 =	vadd.s32 $0x1, v1;
	s1 =	ssub.s32 s1, s26;
	s30 =	sadd.s32 s2, s3;
	[dreg:$0xc] =	wrdreg s0  }
0xa: {  	v4 =	vor.u32 $0x2, v0;
	v5 =	vadd.s32 $0x2, v1;
	v6 =	vor.u32 $0x3, v0;
	s31 =	smax.u32 s1, $0x1;
	[dreg:$0xf] =	wrdreg s30  }
0xb: {  	v7 =	vadd.s32 $0x3, v1;
	v8 =	vor.u32 $0x4, v0;
	v9 =	vadd.s32 $0x4, v1;
	s1 =	simm.s32 $0x2;
	s2 =	simm.s32 $0x0;
	[dreg:$0x10] =	wrdreg s31  }
.LBB2_1:
0xc: {  	[dreg:$0x11] =	wrdreg s2  }
0xd: {  	s0 =	rddreg [dreg:$0xc]  }
0xe: {  	[tilespmem:s6], [sflag:$0x2] =	stream.linear.gather [hbm4b:s0+s6], $0x80, $0x38;
	[tilespmem:$0x12100] =	vst v63  }
0xf: {  	_ =	swait.ge [sflag:s1], $0x80  }
0x10: {  	[sflag:s1] =	ssyncset.done $0x0  }
0x11: {  	[sflag:s1] =	ssyncadd.s32 $0xFFFFFF80  }
0x12: {  	v13 =	vld.idx.msk [tilespmem:v0+s6+$0x0], $0xffff;
	_ =	sdelay $0x3  }
0x13: {  	s19 =	simm.s32 $0x80  }
0x14: {  	[tilespmem:v1+s19+$0x0] =	vst.idx.msk $0xffff, v13  }
0x15: {  	v13 =	vld.idx.msk [tilespmem:v2+s6+$0x0], $0xffff;
	_ =	sdelay $0x4  }
0x16: {  	[tilespmem:v3+s19+$0x0] =	vst.idx.msk $0xffff, v13  }
0x17: {  	v13 =	vld.idx.msk [tilespmem:v4+s6+$0x0], $0xffff;
	_ =	sdelay $0x4  }
0x18: {  	[tilespmem:v5+s19+$0x0] =	vst.idx.msk $0xffff, v13  }
0x19: {  	v13 =	vld.idx.msk [tilespmem:v6+s6+$0x0], $0xffff;
	_ =	sdelay $0x4  }
0x1a: {  	[tilespmem:v7+s19+$0x0] =	vst.idx.msk $0xffff, v13  }
0x1b: {  	v13 =	vld.idx.msk [tilespmem:v8+s6+$0x0], $0xffff;
	_ =	sdelay $0x4  }
0x1c: {  	[tilespmem:v9+s19+$0x0] =	vst.idx.msk $0xffff, v13  }
0x1d: {  	v13 =	vld [tilespmem:$0x80];
	_ =	sdelay $0x4  }
0x1e: {  	v14 =	vshrl.u32 v13, $0x3  }
0x1f: {  	v14 =	vmul.u32 $0x30, v14  }
0x20: {  	v13 =	vand.u32 $0x7, v13  }
0x21: {  	v13 =	vor.u32 v13, v14  }
0x22: {  	v14 =	vperm.xlane v13, v10;
	_ =	sdelay $0x1  }
0x23: {  	v14 =	vadd.s32 v11, v14;
	_ =	sdelay $0x3  }
0x24: {  	s20 =	simm.s32 $0x100;
	s0 =	rddreg [dreg:$0x1];
	v13 =	vperm.xlane v13, v12  }
0x25: {  	[tilespmem:s20], [sflag:$0x1] =	stream.indirect_vreg.gather [hbm4b:s0+s6], $0x80, v14, vm0, $0xb8;
	[tilespmem:$0x12100] =	vst v63  }
0x26: {  	s21 =	simm.s32 $0x900;
	s1 =	rddreg [dreg:$0xd];
	v13 =	vadd.s32 v11, v13  }
0x27: {  	[tilespmem:s21], [sflag:$0x1] =	stream.indirect_vreg.gather [hbm4b:s1+s6], $0x80, v14, vm0, $0xb8;
	[tilespmem:$0x12100] =	vst v63  }
0x28: {  	s3 =	simm.s32 $0x1100;
	s2 =	rddreg [dreg:$0xe]  }
0x29: {  	[tilespmem:s3], [sflag:$0x1] =	stream.indirect_vreg.gather [hbm4b:s2+s6], $0x80, v14, vm0, $0xb8;
	[tilespmem:$0x12100] =	vst v63  }
0x2a: {  	s22 =	simm.s32 $0x1900  }
0x2b: {  	[tilespmem:s22], [sflag:$0x1] =	stream.indirect_vreg.gather [hbm4b:s0+s6], $0x80, v13, vm0, $0xb8;
	[tilespmem:$0x12100] =	vst v63  }
0x2c: {  	s23 =	simm.s32 $0x2100  }
0x2d: {  	[tilespmem:s23], [sflag:$0x1] =	stream.indirect_vreg.gather [hbm4b:s1+s6], $0x80, v13, vm0, $0xb8;
	[tilespmem:$0x12100] =	vst v63  }
0x2e: {  	s24 =	simm.s32 $0x2900  }
0x2f: {  	[tilespmem:s24], [sflag:$0x1] =	stream.indirect_vreg.gather [hbm4b:s2+s6], $0x80, v13, vm0, $0xb8;
	[tilespmem:$0x12100] =	vst v63  }
0x30: {  	v13 =	vld [tilespmem:$0x90];
	_ =	sdelay $0x4  }
0x31: {  	v14 =	vshrl.u32 v13, $0x3  }
0x32: {  	v14 =	vmul.u32 $0x30, v14  }
0x33: {  	v13 =	vand.u32 $0x7, v13  }
0x34: {  	v13 =	vor.u32 v13, v14  }
0x35: {  	v14 =	vperm.xlane v13, v10;
	_ =	sdelay $0x1  }
0x36: {  	v14 =	vadd.s32 v11, v14;
	_ =	sdelay $0x3  }
0x37: {  	s25 =	simm.s32 $0x3100;
	v13 =	vperm.xlane v13, v12  }
0x38: {  	[tilespmem:s25], [sflag:$0x1] =	stream.indirect_vreg.gather [hbm4b:s0+s6], $0x80, v14, vm0, $0xb8;
	[tilespmem:$0x12100] =	vst v63  }
0x39: {  	s26 =	simm.s32 $0x3900;
	v13 =	vadd.s32 v11, v13  }
0x3a: {  	[tilespmem:s26], [sflag:$0x1] =	stream.indirect_vreg.gather [hbm4b:s1+s6], $0x80, v14, vm0, $0xb8;
	[tilespmem:$0x12100] =	vst v63  }
0x3b: {  	s4 =	simm.s32 $0x4100  }
0x3c: {  	[tilespmem:s4], [sflag:$0x1] =	stream.indirect_vreg.gather [hbm4b:s2+s6], $0x80, v14, vm0, $0xb8;
	[tilespmem:$0x12100] =	vst v63  }
0x3d: {  	s5 =	simm.s32 $0x4900  }
0x3e: {  	[tilespmem:s5], [sflag:$0x1] =	stream.indirect_vreg.gather [hbm4b:s0+s6], $0x80, v13, vm0, $0xb8;
	[tilespmem:$0x12100] =	vst v63  }
0x3f: {  	s7 =	simm.s32 $0x5100  }
0x40: {  	[tilespmem:s7], [sflag:$0x1] =	stream.indirect_vreg.gather [hbm4b:s1+s6], $0x80, v13, vm0, $0xb8;
	[tilespmem:$0x12100] =	vst v63  }
0x41: {  	s8 =	simm.s32 $0x5900  }
0x42: {  	[tilespmem:s8], [sflag:$0x1] =	stream.indirect_vreg.gather [hbm4b:s2+s6], $0x80, v13, vm0, $0xb8;
	[tilespmem:$0x12100] =	vst v63  }
0x43: {  	v13 =	vld [tilespmem:$0xA0];
	_ =	sdelay $0x4  }
0x44: {  	v14 =	vshrl.u32 v13, $0x3  }
0x45: {  	v14 =	vmul.u32 $0x30, v14  }
0x46: {  	v13 =	vand.u32 $0x7, v13  }
0x47: {  	v13 =	vor.u32 v13, v14  }
0x48: {  	v14 =	vperm.xlane v13, v10;
	_ =	sdelay $0x1  }
0x49: {  	v14 =	vadd.s32 v11, v14;
	_ =	sdelay $0x3  }
0x4a: {  	s9 =	simm.s32 $0x6100;
	v13 =	vperm.xlane v13, v12  }
0x4b: {  	[tilespmem:s9], [sflag:$0x1] =	stream.indirect_vreg.gather [hbm4b:s0+s6], $0x80, v14, vm0, $0xb8;
	[tilespmem:$0x12100] =	vst v63  }
0x4c: {  	s10 =	simm.s32 $0x6900;
	v13 =	vadd.s32 v11, v13  }
0x4d: {  	[tilespmem:s10], [sflag:$0x1] =	stream.indirect_vreg.gather [hbm4b:s1+s6], $0x80, v14, vm0, $0xb8;
	[tilespmem:$0x12100] =	vst v63  }
0x4e: {  	s11 =	simm.s32 $0x7100  }
0x4f: {  	[tilespmem:s11], [sflag:$0x1] =	stream.indirect_vreg.gather [hbm4b:s2+s6], $0x80, v14, vm0, $0xb8;
	[tilespmem:$0x12100] =	vst v63  }
0x50: {  	s12 =	simm.s32 $0x7900  }
0x51: {  	[tilespmem:s12], [sflag:$0x1] =	stream.indirect_vreg.gather [hbm4b:s0+s6], $0x80, v13, vm0, $0xb8;
	[tilespmem:$0x12100] =	vst v63  }
0x52: {  	s13 =	simm.s32 $0x8100  }
0x53: {  	[tilespmem:s13], [sflag:$0x1] =	stream.indirect_vreg.gather [hbm4b:s1+s6], $0x80, v13, vm0, $0xb8;
	[tilespmem:$0x12100] =	vst v63  }
0x54: {  	s14 =	simm.s32 $0x8900  }
0x55: {  	[tilespmem:s14], [sflag:$0x1] =	stream.indirect_vreg.gather [hbm4b:s2+s6], $0x80, v13, vm0, $0xb8;
	[tilespmem:$0x12100] =	vst v63  }
0x56: {  	v13 =	vld [tilespmem:$0xB0];
	_ =	sdelay $0x4  }
0x57: {  	v14 =	vshrl.u32 v13, $0x3  }
0x58: {  	v14 =	vmul.u32 $0x30, v14  }
0x59: {  	v13 =	vand.u32 $0x7, v13  }
0x5a: {  	v13 =	vor.u32 v13, v14  }
0x5b: {  	v14 =	vperm.xlane v13, v10;
	_ =	sdelay $0x1  }
0x5c: {  	v14 =	vadd.s32 v11, v14;
	_ =	sdelay $0x3  }
0x5d: {  	s15 =	simm.s32 $0x9100;
	v13 =	vperm.xlane v13, v12  }
0x5e: {  	[tilespmem:s15], [sflag:$0x1] =	stream.indirect_vreg.gather [hbm4b:s0+s6], $0x80, v14, vm0, $0xb8;
	[tilespmem:$0x12100] =	vst v63  }
0x5f: {  	s16 =	simm.s32 $0x9900;
	v13 =	vadd.s32 v11, v13  }
0x60: {  	[tilespmem:s16], [sflag:$0x1] =	stream.indirect_vreg.gather [hbm4b:s1+s6], $0x80, v14, vm0, $0xb8;
	[tilespmem:$0x12100] =	vst v63  }
0x61: {  	s17 =	simm.s32 $0xA100  }
0x62: {  	[tilespmem:s17], [sflag:$0x1] =	stream.indirect_vreg.gather [hbm4b:s2+s6], $0x80, v14, vm0, $0xb8;
	[tilespmem:$0x12100] =	vst v63  }
0x63: {  	s18 =	simm.s32 $0xA900  }
0x64: {  	[tilespmem:s18], [sflag:$0x1] =	stream.indirect_vreg.gather [hbm4b:s0+s6], $0x80, v13, vm0, $0xb8;
	[tilespmem:$0x12100] =	vst v63  }
0x65: {  	s19 =	simm.s32 $0xB100  }
0x66: {  	[tilespmem:s19], [sflag:$0x1] =	stream.indirect_vreg.gather [hbm4b:s1+s6], $0x80, v13, vm0, $0xb8;
	[tilespmem:$0x12100] =	vst v63  }
0x67: {  	s20 =	simm.s32 $0xB900  }
0x68: {  	[tilespmem:s20], [sflag:$0x1] =	stream.indirect_vreg.gather [hbm4b:s2+s6], $0x80, v13, vm0, $0xb8;
	[tilespmem:$0x12100] =	vst v63  }
0x69: {  	v13 =	vld [tilespmem:$0xC0];
	_ =	sdelay $0x4  }
0x6a: {  	v14 =	vshrl.u32 v13, $0x3  }
0x6b: {  	v14 =	vmul.u32 $0x30, v14  }
0x6c: {  	v13 =	vand.u32 $0x7, v13  }
0x6d: {  	v13 =	vor.u32 v13, v14  }
0x6e: {  	v14 =	vperm.xlane v13, v10;
	_ =	sdelay $0x1  }
0x6f: {  	v14 =	vadd.s32 v11, v14;
	_ =	sdelay $0x3  }
0x70: {  	s21 =	simm.s32 $0xC100;
	v13 =	vperm.xlane v13, v12  }
0x71: {  	[tilespmem:s21], [sflag:$0x1] =	stream.indirect_vreg.gather [hbm4b:s0+s6], $0x80, v14, vm0, $0xb8;
	[tilespmem:$0x12100] =	vst v63  }
0x72: {  	s22 =	simm.s32 $0xC900;
	v13 =	vadd.s32 v11, v13  }
0x73: {  	[tilespmem:s22], [sflag:$0x1] =	stream.indirect_vreg.gather [hbm4b:s1+s6], $0x80, v14, vm0, $0xb8;
	[tilespmem:$0x12100] =	vst v63  }
0x74: {  	s23 =	simm.s32 $0xD100  }
0x75: {  	[tilespmem:s23], [sflag:$0x1] =	stream.indirect_vreg.gather [hbm4b:s2+s6], $0x80, v14, vm0, $0xb8;
	[tilespmem:$0x12100] =	vst v63  }
0x76: {  	s24 =	simm.s32 $0xD900  }
0x77: {  	[tilespmem:s24], [sflag:$0x1] =	stream.indirect_vreg.gather [hbm4b:s0+s6], $0x80, v13, vm0, $0xb8;
	[tilespmem:$0x12100] =	vst v63  }
0x78: {  	s25 =	simm.s32 $0xE100  }
0x79: {  	[tilespmem:s25], [sflag:$0x1] =	stream.indirect_vreg.gather [hbm4b:s1+s6], $0x80, v13, vm0, $0xb8;
	[tilespmem:$0x12100] =	vst v63  }
0x7a: {  	s26 =	simm.s32 $0xE900  }
0x7b: {  	[tilespmem:s26], [sflag:$0x1] =	stream.indirect_vreg.gather [hbm4b:s2+s6], $0x80, v13, vm0, $0xb8;
	[tilespmem:$0x12100] =	vst v63  }
0x7c: {  	s19 =	simm.s32 $0x0;
	s1 =	simm.s32 $0x1;
	s2 =	simm.s32 $0x0  }
0x7d: {  	_ =	swait.ge [sflag:s1], $0xF000;
	s6 =	smul.u32 $0xAAAB, s2;
	s5 =	sor.u32 $0x7, s2  }
0x7e: {  	s4 =	sor.u32 $0x1, s2;
	s11 =	sor.u32 $0x2, s2;
	s7 =	sand.u32 $0xFFFF, s5  }
0x7f: {  	s10 =	sor.u32 $0x3, s2;
	s16 =	sand.u32 $0xFFFF, s11;
	s8 =	smul.u32 $0xAAAB, s7  }
0x80: {  	s13 =	sor.u32 $0x4, s2;
	s17 =	sand.u32 $0xFFFF, s10;
	s16 =	smul.u32 $0xAAAB, s16  }
0x81: {  	s14 =	sor.u32 $0x5, s2;
	s18 =	sand.u32 $0xFFFF, s13;
	s17 =	smul.u32 $0xAAAB, s17  }
0x82: {  	[dreg:$0x4] =	wrdreg s19;
	s19 =	sand.u32 $0xFFFF, s14;
	s18 =	smul.u32 $0xAAAB, s18  }
0x83: {  	[sflag:s1] =	ssyncset.done $0x0;
	s12 =	sshrl.u32 s6, $0x15;
	s19 =	smul.u32 $0xAAAB, s19  }
0x84: {  	s15 =	sor.u32 $0x6, s2;
	[sflag:s1] =	ssyncadd.s32 $0xFFFF1000;
	s9 =	smul.u32 $0x280, s12  }
0x85: {  	[dreg:$0x12] =	wrdreg s6;
	s7 =	sand.u32 $0xFFFF, s4;
	s20 =	smul.u32 $0x5, s12  }
0x86: {  	s12 =	smul.u32 $0x30, s12;
	s21 =	sshrl.u32 s8, $0x11;
	s16 =	sshrl.u32 s16, $0x11  }
0x87: {  	s17 =	sshrl.u32 s17, $0x11;
	s18 =	sshrl.u32 s18, $0x11;
	s19 =	sshrl.u32 s19, $0x11  }
0x88: {  	s0 =	sand.u32 $0x380, s9;
	s1 =	sadd.s32 $0x4, s20;
	s8 =	sadd.s32 $0x2, s20  }
0x89: {  	s2 =	sadd.s32 $0x3, s20;
	s6 =	sand.u32 $0x30, s21;
	s9 =	sshrl.u32 s20, $0x3  }
0x8a: {  	s20 =	sadd.s32 $0x1, s20;
	s16 =	sand.u32 $0x30, s16;
	s17 =	sand.u32 $0x30, s17  }
0x8b: {  	s18 =	sand.u32 $0x30, s18;
	s19 =	sand.u32 $0x30, s19;
	s12 =	ssub.s32 $0x0, s12  }
0x8c: {  	s3 =	sshll.u32 s8, $0x7;
	s21 =	sshll.u32 s20, $0x7;
	s25 =	smul.u32 $0x6000, s9  }
0x8d: {  	s22 =	sshrl.u32 s20, $0x3;
	s23 =	sshrl.u32 s2, $0x3;
	s24 =	sshrl.u32 s8, $0x3  }
0x8e: {  	s5 =	sadd.s32 s6, s5;
	s11 =	sadd.s32 s16, s11;
	s10 =	sadd.s32 s17, s10  }
0x8f: {  	s13 =	sadd.s32 s18, s13;
	s14 =	sadd.s32 s19, s14;
	s26 =	smul.u32 $0x6000, s22  }
0x90: {  	s12 =	sshll.u32 s12, $0x7;
	s2 =	sshll.u32 s2, $0x7;
	s9 =	smul.u32 $0x6000, s24  }
0x91: {  	s8 =	sand.u32 $0x380, s21;
	s5 =	sshll.u32 s5, $0x7;
	s6 =	smul.u32 $0x6000, s23  }
0x92: {  	s23 =	smul.u32 $0xAAAB, s7;
	s11 =	sshll.u32 s11, $0x7;
	s10 =	sshll.u32 s10, $0x7  }
0x93: {  	s13 =	sshll.u32 s13, $0x7;
	s14 =	sshll.u32 s14, $0x7;
	s3 =	sand.u32 $0x380, s3  }
0x94: {  	s22 =	sand.u32 $0x1C00, s5;
	s24 =	sshrl.u32 s25, $0x2;
	s28 =	sand.u32 $0x1C00, s11  }
0x95: {  	s10 =	sand.u32 $0x1C00, s10;
	s26 =	sshrl.u32 s26, $0x2;
	s5 =	sor.u32 $0x100, s24  }
0x96: {  	s21 =	sshrl.u32 s23, $0x11;
	s24 =	sand.u32 $0x1C00, s14;
	[dreg:$0x13] =	wrdreg s22  }
0x97: {  	s9 =	sshrl.u32 s9, $0x2;
	s6 =	sshrl.u32 s6, $0x2;
	s20 =	sor.u32 $0x100, s26  }
0x98: {  	s26 =	sand.u32 $0xFFFF, s15;
	s21 =	sand.u32 $0x30, s21;
	s25 =	sadd.s32 s22, s20  }
0x99: {  	s4 =	sadd.s32 s21, s4;
	s7 =	sadd.s32 s8, s25;
	s25 =	smul.u32 $0xAAAB, s26  }
0x9a: {  	s31 =	sadd.s32 s10, s5;
	s17 =	sadd.s32 s10, s20;
	s4 =	sshll.u32 s4, $0x7  }
0x9b: {  	s19 =	sadd.s32 s24, s20;
	s26 =	sand.u32 $0x1C00, s4;
	s25 =	sshrl.u32 s25, $0x11  }
0x9c: {  	s4 =	sadd.s32 s28, s20;
	s23 =	sadd.s32 s26, s20;
	s21 =	sand.u32 $0x30, s25  }
0x9d: {  	s25 =	sand.u32 $0xFF80, s12;
	s12 =	sadd.s32 s8, s23;
	s15 =	sadd.s32 s21, s15  }
0x9e: {  	s23 =	sadd.s32 s8, s17;
	s16 =	sshll.u32 s15, $0x7;
	s15 =	sand.u32 $0x1C00, s13  }
0x9f: {  	s13 =	sadd.s32 s8, s4;
	s4 =	sshrl.u32 s1, $0x3;
	s1 =	sshll.u32 s1, $0x7  }
0xa0: {  	s11 =	sand.u32 $0x1C00, s16;
	s16 =	sadd.s32 s25, s20;
	s18 =	sadd.s32 s15, s20  }
0xa1: {  	s29 =	smul.u32 $0x6000, s4;
	s21 =	sadd.s32 s11, s20;
	s20 =	sadd.s32 s8, s19  }
0xa2: {  	s14 =	sadd.s32 s8, s16;
	s17 =	sadd.s32 s8, s18;
	[dreg:$0x16] =	wrdreg s20  }
0xa3: {  	s19 =	sadd.s32 s8, s21;
	s21 =	sadd.s32 s22, s5;
	s16 =	sshrl.u32 s29, $0x2  }
0xa4: {  	s29 =	sadd.s32 s26, s5;
	s20 =	sadd.s32 s0, s21;
	s21 =	sor.u32 $0x100, s9  }
0xa5: {  	s9 =	sor.u32 $0x100, s6;
	s6 =	sor.u32 $0x100, s16;
	v14 =	vld [tilespmem:s7+$0x70];
	s16 =	sadd.s32 s25, s5  }
0xa6: {  	v19 =	vld [tilespmem:s12+$0x10];
	s8 =	sadd.s32 s22, s21;
	s18 =	sadd.s32 s22, s9;
	s22 =	sadd.s32 s22, s6  }
0xa7: {  	v20 =	vld [tilespmem:s13+$0x20];
	s7 =	sadd.s32 s0, s16;
	s12 =	sadd.s32 s26, s21;
	s13 =	sadd.s32 s10, s21  }
0xa8: {  	v18 =	vld [tilespmem:s14+$0x0];
	s14 =	sadd.s32 s15, s21;
	s30 =	sadd.s32 s3, s8;
	s8 =	sand.u32 $0x380, s2  }
0xa9: {  	v21 =	vld [tilespmem:s23+$0x30];
	s23 =	sadd.s32 s11, s21;
	s2 =	sand.u32 $0x380, s1;
	s4 =	sadd.s32 s8, s18  }
0xaa: {  	s1 =	sadd.s32 s2, s22;
	v15 =	vld [tilespmem:s30+$0x70];
	s30 =	sadd.s32 s28, s5;
	s18 =	sadd.s32 s15, s5  }
0xab: {  	s22 =	sadd.s32 s24, s5;
	s5 =	sadd.s32 s11, s5;
	v16 =	vld [tilespmem:s4+$0x70];
	s4 =	sadd.s32 s0, s29  }
0xac: {  	s29 =	sadd.s32 s0, s30;
	s30 =	sadd.s32 s0, s31;
	s31 =	sadd.s32 s0, s18  }
0xad: {  	v13 =	vld [tilespmem:s20+$0x70];
	s20 =	sadd.s32 s0, s22;
	s18 =	sadd.s32 s0, s5;
	s5 =	sadd.s32 s25, s21  }
0xae: {  	s22 =	sadd.s32 s28, s21;
	s16 =	sadd.s32 s3, s5;
	s5 =	sadd.s32 s3, s12  }
0xaf: {  	v23 =	vld [tilespmem:s17+$0x40];
	s12 =	sadd.s32 s3, s13;
	s13 =	sadd.s32 s3, s14;
	s14 =	rddreg [dreg:$0x16]  }
0xb0: {  	v17 =	vld [tilespmem:s1+$0x70];
	s0 =	sadd.s32 s24, s21;
	s21 =	sadd.s32 s25, s9;
	[dreg:$0x18] =	wrdreg s12  }
0xb1: {  	s22 =	sadd.s32 s3, s22;
	s0 =	sadd.s32 s3, s0;
	[dreg:$0x17] =	wrdreg s13  }
0xb2: {  	s3 =	sadd.s32 s3, s23;
	s1 =	sadd.s32 s8, s21;
	v24 =	vld [tilespmem:s14+$0x50];
	[dreg:$0x15] =	wrdreg s0  }
0xb3: {  	s21 =	sadd.s32 s15, s9;
	s23 =	sadd.s32 s24, s9;
	v25 =	vld [tilespmem:s19+$0x60];
	[dreg:$0x14] =	wrdreg s1  }
0xb4: {  	s12 =	sadd.s32 s26, s9;
	s13 =	sadd.s32 s28, s9;
	s14 =	rddreg [dreg:$0x12];
	v22 =	vld [tilespmem:s7+$0x0]  }
0xb5: {  	s21 =	sadd.s32 s8, s21;
	s17 =	sshrl.u32 s14, $0x18;
	s19 =	sadd.s32 s10, s9;
	v26 =	vld [tilespmem:s4+$0x10]  }
0xb6: {  	s9 =	sadd.s32 s11, s9;
	s1 =	sadd.s32 s8, s13;
	s0 =	smul.u32 $0x6000, s17;
	v27 =	vld [tilespmem:s29+$0x20]  }
0xb7: {  	s17 =	sadd.s32 s8, s12;
	s13 =	sadd.s32 s8, s19;
	v28 =	vld [tilespmem:s30+$0x30];
	s30 =	sadd.s32 s8, s23  }
0xb8: {  	s12 =	sadd.s32 s8, s9;
	s19 =	sadd.s32 s25, s6;
	s23 =	sadd.s32 s26, s6;
	v31 =	vld [tilespmem:s18+$0x60]  }
0xb9: {  	v13 =	vadd.f32 v14, v13;
	s9 =	sshrl.u32 s14, $0xE;
	s7 =	sadd.s32 s28, s6;
	v34 =	vld [tilespmem:s22+$0x20];
	s22 =	rddreg [dreg:$0x18]  }
0xba: {  	s18 =	sadd.s32 s10, s6;
	s14 =	sadd.s32 s24, s6;
	v33 =	vld [tilespmem:s5+$0x10];
	s5 =	rddreg [dreg:$0x13]  }
0xbb: {  	v13 =	vadd.f32 v15, v13;
	v30 =	vld [tilespmem:s20+$0x50];
	s8 =	sadd.s32 s2, s19;
	s20 =	sadd.s32 s2, s23;
	s23 =	sadd.s32 s15, s6  }
0xbc: {  	v29 =	vld [tilespmem:s31+$0x40];
	s6 =	sadd.s32 s11, s6;
	s19 =	sadd.s32 s2, s7;
	s7 =	sadd.s32 s2, s18  }
0xbd: {  	v32 =	vld [tilespmem:s16+$0x0];
	v13 =	vadd.f32 v16, v13;
	s16 =	sadd.s32 s2, s14;
	s14 =	rddreg [dreg:$0x17];
	s4 =	sshrl.u32 s0, $0x2  }
0xbe: {  	s18 =	sadd.s32 s2, s23;
	s0 =	sadd.s32 s2, s6;
	s4 =	sadd.s32 $0xF100, s4  }
0xbf: {  	s23 =	sand.u32 $0x380, s9;
	v35 =	vadd.f32 v17, v13;
	s6 =	sadd.s32 s5, s4;
	s9 =	sadd.s32 s26, s4  }
0xc0: {  	v14 =	vld [tilespmem:s22+$0x30];
	s26 =	sadd.s32 s28, s4;
	s22 =	sadd.s32 s10, s4;
	s15 =	sadd.s32 s15, s4;
	v18 =	vadd.f32 v18, v22;
	v26 =	vadd.f32 v19, v26  }
0xc1: {  	s2 =	sadd.s32 s25, s4;
	s25 =	rddreg [dreg:$0x15];
	v19 =	vld [tilespmem:s14+$0x40];
	v20 =	vadd.f32 v20, v27;
	v13 =	vadd.f32 v21, v28;
	s5 =	sadd.s32 s23, s6  }
0xc2: {  	s24 =	sadd.s32 s24, s4;
	s11 =	sadd.s32 s11, s4;
	v22 =	vld [tilespmem:s25+$0x50];
	v16 =	vadd.f32 v23, v29;
	v15 =	vadd.f32 v24, v30;
	s10 =	sadd.s32 s23, s9;
	[tilespmem:s5+$0x70] =	vst v35  }
0xc3: {  	v23 =	vld [tilespmem:s3+$0x60];
	v17 =	vadd.f32 v25, v31;
	s4 =	sadd.s32 s23, s26;
	s28 =	sadd.s32 s23, s22;
	v18 =	vadd.f32 v32, v18;
	s26 =	rddreg [dreg:$0x14]  }
0xc4: {  	s29 =	sadd.s32 s23, s15;
	s31 =	sadd.s32 s23, s11;
	v21 =	vadd.f32 v33, v26;
	v20 =	vadd.f32 v34, v20;
	v24 =	vld [tilespmem:s26+$0x0];
	s26 =	sadd.s32 s23, s24  }
.LBB2_2:
0xc5: {  	s22 =	rddreg [dreg:$0x4]  }
0xc6: {  	s22 =	sadd.s32 $0x8, s22  }
0xc7: {  	s2 =	sadd.s32 s23, s2;
	s23 =	smul.u32 $0xAAAB, s22;
	s5 =	sor.u32 $0x1, s22  }
0xc8: {  	s25 =	sor.u32 $0x7, s22;
	s11 =	sor.u32 $0x2, s22;
	s15 =	sor.u32 $0x5, s22  }
0xc9: {  	v25 =	vld [tilespmem:s17+$0x10];
	s14 =	sor.u32 $0x6, s22;
	p0 =	slt.u32 s22, $0x2F8;
	[dreg:$0x4] =	wrdreg s22  }
0xca: {  	[dreg:$0x5] =	wrdreg s5;
	v16 =	vadd.f32 v19, v16;
	s3 =	sand.u32 $0xFFFF, s25;
	v19 =	vld [tilespmem:s13+$0x30];
	s13 =	sor.u32 $0x4, s22  }
0xcb: {  	s24 =	sand.u32 $0xFFFF, s11;
	v13 =	vadd.f32 v14, v13;
	v14 =	vld [tilespmem:s1+$0x20];
	s1 =	sor.u32 $0x3, s22;
	s17 =	sshrl.u32 s23, $0x15  }
0xcc: {  	v15 =	vadd.f32 v22, v15;
	s9 =	smul.u32 $0xAAAB, s3;
	v22 =	vld [tilespmem:s21+$0x40];
	[dreg:$0x9] =	wrdreg s24;
	s21 =	sand.u32 $0xFFFF, s13  }
0xcd: {  	v17 =	vadd.f32 v23, v17;
	v23 =	vld [tilespmem:s30+$0x50];
	s24 =	sand.u32 $0xFFFF, s15;
	s3 =	smul.u32 $0x280, s17;
	[dreg:$0x7] =	wrdreg s21  }
0xce: {  	v18 =	vadd.f32 v24, v18;
	v24 =	vld [tilespmem:s12+$0x60];
	s30 =	smul.u32 $0x5, s17;
	s12 =	sand.u32 $0xFFFF, s1;
	[dreg:$0x6] =	wrdreg s24  }
0xcf: {  	s6 =	sand.u32 $0xFFFF, s5;
	s17 =	smul.u32 $0x30, s17;
	[dreg:$0x8] =	wrdreg s12  }
0xd0: {  	v21 =	vadd.f32 v25, v21;
	v25 =	vld [tilespmem:s8+$0x0];
	s5 =	sshrl.u32 s9, $0x11;
	s24 =	sand.u32 $0x380, s3;
	s3 =	sadd.s32 $0x4, s30  }
0xd1: {  	s9 =	sadd.s32 $0x2, s30;
	s8 =	sand.u32 $0x30, s5;
	s12 =	sshrl.u32 s30, $0x3;
	v13 =	vadd.f32 v19, v13;
	v19 =	vld [tilespmem:s19+$0x20]  }
0xd2: {  	s19 =	sadd.s32 $0x1, s30;
	s5 =	sshrl.u32 s3, $0x3;
	s8 =	sadd.s32 s8, s25;
	v14 =	vadd.f32 v14, v20;
	v20 =	vld [tilespmem:s20+$0x10]  }
0xd3: {  	s3 =	sshll.u32 s3, $0x7;
	s20 =	sadd.s32 $0x3, s30;
	v16 =	vadd.f32 v22, v16;
	s30 =	sshll.u32 s9, $0x7;
	v22 =	vld [tilespmem:s7+$0x30]  }
0xd4: {  	v15 =	vadd.f32 v23, v15;
	s7 =	sshll.u32 s19, $0x7;
	v23 =	vld [tilespmem:s18+$0x40];
	s18 =	smul.u32 $0x6000, s12;
	s19 =	sshrl.u32 s19, $0x3  }
0xd5: {  	s9 =	sshrl.u32 s9, $0x3;
	s8 =	sshll.u32 s8, $0x7;
	s5 =	smul.u32 $0x6000, s5  }
0xd6: {  	v17 =	vadd.f32 v24, v17;
	v24 =	vld [tilespmem:s16+$0x50];
	s21 =	sshrl.u32 s20, $0x3;
	s12 =	sand.u32 $0x380, s7;
	s16 =	smul.u32 $0x6000, s19  }
0xd7: {  	v18 =	vadd.f32 v25, v18;
	s9 =	smul.u32 $0x6000, s9;
	s30 =	sand.u32 $0x380, s30;
	s19 =	sshrl.u32 s18, $0x2  }
0xd8: {  	s5 =	sshrl.u32 s5, $0x2;
	s7 =	sor.u32 $0x100, s19;
	s25 =	sshrl.u32 s16, $0x2  }
0xd9: {  	[tilespmem:s2+$0x0] =	vst v18;
	s2 =	sand.u32 $0x1C00, s8;
	s18 =	sshrl.u32 s9, $0x2;
	s8 =	sor.u32 $0x100, s25  }
0xda: {  	v14 =	vadd.f32 v19, v14;
	s16 =	sadd.s32 s2, s7;
	v20 =	vadd.f32 v20, v21;
	v21 =	vld [tilespmem:s0+$0x60];
	s0 =	smul.u32 $0x6000, s21;
	s21 =	sadd.s32 s2, s8  }
0xdb: {  	s19 =	sadd.s32 s24, s16;
	s16 =	sor.u32 $0x100, s18;
	s25 =	sadd.s32 s12, s21  }
0xdc: {  	v13 =	vadd.f32 v22, v13;
	[tilespmem:s4+$0x20] =	vst v14;
	s9 =	sadd.s32 s2, s16;
	s21 =	sshrl.u32 s23, $0x18;
	s23 =	sshrl.u32 s23, $0xE  }
0xdd: {  	v14 =	vadd.f32 v23, v16;
	[tilespmem:s10+$0x10] =	vst v20;
	s0 =	sshrl.u32 s0, $0x2;
	s10 =	sshll.u32 s20, $0x7;
	s4 =	sadd.s32 s30, s9  }
0xde: {  	[tilespmem:s28+$0x30] =	vst v13;
	v16 =	vld [tilespmem:s25+$0x70];
	s25 =	sand.u32 $0x380, s3;
	s3 =	sand.u32 $0xFFFF, s14;
	s20 =	smul.u32 $0xAAAB, s6  }
0xdf: {  	v13 =	vadd.f32 v24, v15;
	s23 =	sand.u32 $0x380, s23;
	[tilespmem:s29+$0x40] =	vst v14;
	s0 =	sor.u32 $0x100, s0;
	s29 =	sand.u32 $0x380, s10  }
0xe0: {  	s10 =	rddreg [dreg:$0x9];
	s3 =	smul.u32 $0xAAAB, s3;
	s18 =	sadd.s32 s2, s0  }
0xe1: {  	v15 =	vld [tilespmem:s19+$0x70];
	[tilespmem:s26+$0x50] =	vst v13;
	s26 =	sor.u32 $0x100, s5;
	s9 =	smul.u32 $0xAAAB, s10;
	s5 =	sshrl.u32 s20, $0x11  }
0xe2: {  	v13 =	vld [tilespmem:s4+$0x70];
	s20 =	rddreg [dreg:$0x8];
	s4 =	sadd.s32 s29, s18;
	s19 =	sadd.s32 s2, s26  }
0xe3: {  	v14 =	vadd.f32 v21, v17;
	s18 =	smul.u32 $0x6000, s21;
	s21 =	rddreg [dreg:$0x7];
	s3 =	sshrl.u32 s3, $0x11  }
0xe4: {  	s5 =	sand.u32 $0x30, s5;
	s10 =	smul.u32 $0xAAAB, s21;
	s3 =	sand.u32 $0x30, s3  }
0xe5: {  	[tilespmem:s31+$0x60] =	vst v14;
	v14 =	vld [tilespmem:s4+$0x70];
	s4 =	sadd.s32 s25, s19;
	s19 =	sshrl.u32 s9, $0x11;
	s9 =	smul.u32 $0xAAAB, s20  }
0xe6: {  	s3 =	sadd.s32 s3, s14;
	s6 =	sand.u32 $0x30, s19;
	s19 =	rddreg [dreg:$0x6]  }
0xe7: {  	v15 =	vadd.f32 v16, v15;
	v16 =	vld [tilespmem:s4+$0x70];
	s4 =	sshrl.u32 s18, $0x2;
	s10 =	sshrl.u32 s10, $0x11;
	s18 =	rddreg [dreg:$0x5]  }
0xe8: {  	s3 =	sshll.u32 s3, $0x7;
	s28 =	sadd.s32 $0xF100, s4;
	s4 =	smul.u32 $0xAAAB, s19  }
0xe9: {  	s9 =	sshrl.u32 s9, $0x11;
	s21 =	sand.u32 $0x30, s10;
	s5 =	sadd.s32 s5, s18  }
0xea: {  	s6 =	sadd.s32 s6, s11;
	s10 =	sand.u32 $0x1C00, s3;
	s2 =	sadd.s32 s2, s28  }
0xeb: {  	s20 =	sand.u32 $0x30, s9;
	s19 =	sadd.s32 s21, s13;
	s5 =	sshll.u32 s5, $0x7  }
0xec: {  	s6 =	sshll.u32 s6, $0x7;
	s2 =	sadd.s32 s23, s2;
	s4 =	sshrl.u32 s4, $0x11  }
0xed: {  	s1 =	sadd.s32 s20, s1;
	s20 =	ssub.s32 s22, s17;
	s21 =	sshll.u32 s19, $0x7  }
0xee: {  	v13 =	vadd.f32 v13, v15;
	s4 =	sand.u32 $0x30, s4;
	s1 =	sshll.u32 s1, $0x7;
	s22 =	sshll.u32 s20, $0x7  }
0xef: {  	s9 =	sand.u32 $0x1C00, s21;
	s4 =	sadd.s32 s4, s15;
	s15 =	sand.u32 $0x1C00, s6  }
0xf0: {  	v13 =	vadd.f32 v14, v13;
	s31 =	sand.u32 $0x1C00, s1;
	s11 =	sand.u32 $0xFF80, s22;
	s13 =	sadd.s32 s9, s8  }
0xf1: {  	s21 =	sadd.s32 s9, s7;
	s4 =	sshll.u32 s4, $0x7;
	s3 =	sadd.s32 s15, s8  }
0xf2: {  	v13 =	vadd.f32 v16, v13;
	s6 =	sadd.s32 s31, s8;
	s14 =	sadd.s32 s11, s7;
	s19 =	sadd.s32 s15, s7  }
0xf3: {  	s20 =	sadd.s32 s31, s7;
	s4 =	sand.u32 $0x1C00, s4;
	s3 =	sadd.s32 s12, s3  }
0xf4: {  	s14 =	sadd.s32 s24, s14;
	[tilespmem:s2+$0x70] =	vst v13;
	s2 =	sand.u32 $0x1C00, s5;
	s5 =	sadd.s32 s11, s8  }
0xf5: {  	s17 =	sadd.s32 s4, s8;
	s22 =	sadd.s32 s4, s7;
	v15 =	vld [tilespmem:s3+$0x20];
	s3 =	sadd.s32 s11, s16  }
0xf6: {  	s1 =	sadd.s32 s2, s8;
	s8 =	sadd.s32 s10, s8;
	s18 =	sadd.s32 s2, s7  }
0xf7: {  	v19 =	vld [tilespmem:s14+$0x0];
	s7 =	sadd.s32 s10, s7;
	s5 =	sadd.s32 s12, s5;
	s1 =	sadd.s32 s12, s1  }
0xf8: {  	v13 =	vld [tilespmem:s5+$0x0];
	s5 =	sadd.s32 s12, s6;
	s6 =	sadd.s32 s12, s13;
	s13 =	sadd.s32 s12, s17  }
0xf9: {  	s17 =	sadd.s32 s24, s18;
	s18 =	sadd.s32 s24, s21;
	s7 =	sadd.s32 s24, s7;
	v14 =	vld [tilespmem:s1+$0x10]  }
0xfa: {  	s21 =	sadd.s32 s31, s16;
	s1 =	sadd.s32 s12, s8;
	s8 =	sadd.s32 s24, s19;
	v17 =	vld [tilespmem:s6+$0x40]  }
0xfb: {  	s12 =	sadd.s32 s24, s20;
	s19 =	sadd.s32 s24, s22;
	s24 =	sadd.s32 s2, s16;
	v18 =	vld [tilespmem:s13+$0x50]  }
0xfc: {  	s20 =	sadd.s32 s15, s16;
	s6 =	sadd.s32 s9, s16;
	s13 =	sadd.s32 s4, s16;
	v21 =	vld [tilespmem:s17+$0x10]  }
0xfd: {  	s16 =	sadd.s32 s10, s16;
	s22 =	sadd.s32 s30, s3;
	s14 =	sadd.s32 s30, s21;
	v24 =	vld [tilespmem:s18+$0x40]  }
0xfe: {  	s17 =	sadd.s32 s2, s0;
	s18 =	sadd.s32 s2, s26;
	v26 =	vld [tilespmem:s7+$0x60];
	s7 =	sadd.s32 s31, s26  }
0xff: {  	v16 =	vld [tilespmem:s5+$0x30];
	s24 =	sadd.s32 s30, s24;
	s3 =	sadd.s32 s30, s20;
	s5 =	sadd.s32 s30, s6  }
0x100: {  	s6 =	sadd.s32 s30, s13;
	s13 =	sadd.s32 s11, s0;
	s21 =	sadd.s32 s30, s16  }
0x101: {  	s16 =	sadd.s32 s15, s0;
	s20 =	sadd.s32 s31, s0;
	v23 =	vld [tilespmem:s12+$0x30];
	s12 =	sadd.s32 s4, s0  }
0x102: {  	s17 =	sadd.s32 s29, s17;
	v27 =	vld [tilespmem:s22+$0x0];
	s22 =	sadd.s32 s9, s26;
	[dreg:$0xb] =	wrdreg s6  }
0x103: {  	s7 =	sadd.s32 s25, s7;
	[dreg:$0xa] =	wrdreg s21;
	s21 =	sadd.s32 s9, s0  }
0x104: {  	v20 =	vld [tilespmem:s1+$0x60];
	s6 =	sadd.s32 s29, s13;
	s0 =	sadd.s32 s10, s0;
	s1 =	sadd.s32 s29, s16  }
0x105: {  	v22 =	vld [tilespmem:s8+$0x20];
	s13 =	sadd.s32 s29, s20;
	s30 =	sadd.s32 s29, s12;
	s16 =	sadd.s32 s11, s26  }
0x106: {  	s20 =	sadd.s32 s25, s18;
	v30 =	vld [tilespmem:s3+$0x20];
	s18 =	sadd.s32 s25, s22;
	s3 =	sadd.s32 s2, s28  }
0x107: {  	v29 =	vld [tilespmem:s24+$0x10];
	s2 =	sadd.s32 s11, s28;
	s24 =	sadd.s32 s4, s28;
	s21 =	sadd.s32 s29, s21  }
0x108: {  	s12 =	sadd.s32 s29, s0;
	s29 =	sadd.s32 s4, s26;
	s8 =	sadd.s32 s25, s16;
	v25 =	vadd.f32 v13, v19;
	v19 =	vld [tilespmem:s19+$0x50]  }
0x109: {  	s22 =	rddreg [dreg:$0xb];
	s19 =	sadd.s32 s15, s26;
	s26 =	sadd.s32 s10, s26  }
.Ltmp0:
0x10a: {  	s16 =	sadd.s32 s25, s29;
	s15 =	sadd.s32 s15, s28;
	v21 =	vadd.f32 v14, v21;
	v14 =	vld [tilespmem:s14+$0x30];
	(pc) =	sbr.rel @p0 .LBB2_2-.Ltmp0, $4  }
0x10b: {  	s19 =	sadd.s32 s25, s19;
	s0 =	sadd.s32 s25, s26;
	s26 =	sadd.s32 s31, s28;
	v28 =	vadd.f32 v15, v22;
	v13 =	vadd.f32 v16, v23;
	v22 =	vld [tilespmem:s22+$0x50]  }
0x10c: {  	s25 =	sadd.s32 s10, s28;
	s10 =	sadd.s32 s23, s3;
	s4 =	sadd.s32 s23, s15;
	v16 =	vadd.f32 v17, v24;
	v17 =	vadd.f32 v20, v26;
	v24 =	vld [tilespmem:s6+$0x0]  }
0x10d: {  	v21 =	vadd.f32 v29, v21;
	v15 =	vadd.f32 v18, v19;
	v19 =	vld [tilespmem:s5+$0x40];
	s5 =	sadd.s32 s9, s28;
	s28 =	sadd.s32 s23, s26;
	s26 =	rddreg [dreg:$0xa]  }
0x10e: {  	s31 =	sadd.s32 s23, s25;
	v20 =	vadd.f32 v30, v28;
	v18 =	vadd.f32 v27, v25;
	v23 =	vld [tilespmem:s26+$0x60];
	s29 =	sadd.s32 s23, s5;
	s26 =	sadd.s32 s23, s24  }
0x10f: {  	v25 =	vld [tilespmem:s17+$0x10]  }
0x110: {  	v26 =	vld [tilespmem:s1+$0x20]  }
0x111: {  	v27 =	vld [tilespmem:s13+$0x30]  }
0x112: {  	v28 =	vld [tilespmem:s21+$0x40]  }
0x113: {  	v29 =	vld [tilespmem:s30+$0x50]  }
0x114: {  	v30 =	vld [tilespmem:s12+$0x60]  }
0x115: {  	v31 =	vld [tilespmem:s8+$0x0]  }
0x116: {  	v32 =	vld [tilespmem:s20+$0x10]  }
0x117: {  	v33 =	vld [tilespmem:s19+$0x20];
	v13 =	vadd.f32 v14, v13;
	v15 =	vadd.f32 v22, v15  }
0x118: {  	v58 =	vld [tilespmem:s7+$0x30];
	v18 =	vadd.f32 v24, v18;
	v14 =	vadd.f32 v19, v16  }
0x119: {  	v59 =	vld [tilespmem:s18+$0x40];
	v17 =	vadd.f32 v23, v17;
	v21 =	vadd.f32 v25, v21  }
0x11a: {  	v60 =	vld [tilespmem:s16+$0x50];
	v20 =	vadd.f32 v26, v20;
	v18 =	vadd.f32 v31, v18  }
0x11b: {  	s25 =	sadd.s32 s23, s2;
	v61 =	vld [tilespmem:s0+$0x60];
	v13 =	vadd.f32 v27, v13;
	v21 =	vadd.f32 v32, v21  }
0x11c: {  	v14 =	vadd.f32 v28, v14;
	[tilespmem:s25+$0x0] =	vst v18;
	v62 =	vadd.f32 v33, v20  }
0x11d: {  	v15 =	vadd.f32 v29, v15;
	v13 =	vadd.f32 v58, v13;
	[tilespmem:s10+$0x10] =	vst v21  }
0x11e: {  	v63 =	vadd.f32 v30, v17;
	v14 =	vadd.f32 v59, v14;
	[tilespmem:s4+$0x20] =	vst v62  }
0x11f: {  	[tilespmem:s28+$0x30] =	vst v13;
	v13 =	vadd.f32 v60, v15  }
0x120: {  	[tilespmem:s29+$0x40] =	vst v14;
	v14 =	vadd.f32 v61, v63  }
0x121: {  	[tilespmem:s26+$0x50] =	vst v13  }
0x122: {  	s6 =	simm.s32 $0x0;
	[tilespmem:s31+$0x60] =	vst v14  }
0x123: {  	s1 =	simm.s32 $0x2;
	s29 =	simm.s32 $0xF100;
	s28 =	rddreg [dreg:$0xf]  }
0x124: {  	[hbm4b:s28+s6] =	stream.linear.scatter [tilespmem:s29], [sflag:$0x2], $0x3000, $0x38;
	[tilespmem:$0x12100] =	vst v63  }
0x125: {  	_ =	swait.ge [sflag:s1], $0x3000  }
0x126: {  	s30 =	rddreg [dreg:$0x11]  }
0x127: {  	s31 =	rddreg [dreg:$0x10];
	s2 =	sadd.s32 $0x1, s30  }
0x128: {  	p0 =	sne.s32 s2, s31  }
.Ltmp1:
0x129: {  	_ = 	snop;
	(pc) =	sbr.rel @p0 .LBB2_1-.Ltmp1, $3  }
0x12a: {  	_ =	sdelay $0x1  }
0x12b: {  	[sflag:s1] =	ssyncset.done $0x0  }
0x12c: {  	[sflag:s1] =	ssyncadd.s32 $0xFFFFD000  }
0x12d: {  	_ =	sfence.sel $0x180000  }
0x12e: {  	[bflag:$0x0] =	sbarrier.arrive $0xFFFF  }
0x12f: {  	_ =	strace $0x90000047  }
0x130: {  	s0 =	stileid.u32;
	[bflag:$0x2] =	sbarrier.arrive $0xFFFF  }
0x131: {  	p0 =	sne.s32 s0, $0x0;
	s0 =	rddreg [dreg:$0x3]  }
0x132: {  	s0 =	sadd.s32 @!p0 $0x100000, s0  }
0x133: {  	[sflag:s0] =	ssyncadd.tile.s32 @!p0 $0x1;
	_ =	shalt  }
.Lfunc_end2:
_tile_overlayer_lowered:
.L_overlay_start_2:
0x134: {  	(tag) =	ssettag $0x2  }
0x135: {  	s0 =	rddreg [dreg:$0x0];
	s2 =	stileid.u32  }
0x136: {  	s1 =	rddreg [dreg:$0x1];
	p0 =	sne.s32 s2, $0x0  }
0x137: {  	s3 =	rddreg [dreg:$0x2];
	[bflag:$0x3] =	sbarrier.arrive $0xFFFF;
	s2 =	simm.s32 @!p0 $0x1C02  }
0x138: {  	[timem:s3], [sflag:s2] =	dma.local @!p0 [hbm:s0], s1  }
0x139: {  	s0 =	simm.s32 @!p0 $0x2  }
0x13a: {  	_ =	swait.ge @!p0 [sflag:s0], s1  }
0x13b: {  	s1 =	ssub.s32 @!p0 $0x0, s1;
	[sflag:s0] =	ssyncset.done @!p0 $0x0  }
0x13c: {  	[sflag:s0] =	ssyncadd.s32 @!p0 s1  }
0x13d: {  	[bflag:$0x3] =	sbarrier.arrive $0xFFFF  }
0x13e: {  	_ =	shalt  }

</sc_bundles>
